<compile_context>
chip_gen: v7x
topology: tpu7x:2x2x1
jax: 0.10.2.dev20260603
libtpu: 0.0.44.dev20260713+nightly
codegen_flags: <defaults>
</compile_context>

<pallas_src>
import functools

import jax
import jax.numpy as jnp
from jax import lax
from jax.experimental import pallas as pl
from jax.experimental.pallas import tpu as pltpu
from jax.experimental.pallas import tpu_sc as plsc

B = 4096
D = 256
K = 8192
TEMP = 0.05
BR = 2048
COLT = 2048
NBLK = B // BR
LOG2E = 1.4426950408889634
L = 16


def _sc_target_dots(targets, x, feats):
    info = plsc.get_sparse_core_info()
    nw = info.num_cores * info.num_subcores
    bpw = B // nw
    nch = D // L
    mesh = plsc.VectorSubcoreMesh(core_axis_name="c", subcore_axis_name="s")

    @functools.partial(
        pl.kernel, mesh=mesh,
        out_type=jax.ShapeDtypeStruct((2 * B * L,), jnp.float32),
        scratch_types=[
            pltpu.VMEM((bpw,), jnp.int32),
            pltpu.VMEM((bpw,), jnp.int32),
            pltpu.VMEM((bpw, D), jnp.float32),
            pltpu.VMEM((bpw, D), jnp.float32),
            pltpu.VMEM((bpw * L,), jnp.float32),
            pltpu.VMEM((bpw * L,), jnp.float32),
            pltpu.SemaphoreType.DMA,
        ],
    )
    def k(tgt_hbm, x_hbm, feats_hbm, p_hbm,
          idx_v, idx2_v, rows, xv, pm_v, ph_v, sem):
        wid = lax.axis_index("s") * info.num_cores + lax.axis_index("c")
        base = wid * bpw
        pltpu.sync_copy(tgt_hbm.at[pl.ds(base, bpw)], idx_v)
        for j in range(bpw // L):
            sl = pl.ds(j * L, L)
            idx2_v[sl] = idx_v[sl] + K
        gm = pltpu.async_copy(feats_hbm.at[idx_v], rows, sem)
        pltpu.sync_copy(x_hbm.at[pl.ds(base, bpw)], xv)
        gm.wait()

        def dot_rows(p_v):
            def row_pair(r2, carry):
                for rr in range(2):
                    r = r2 * 2 + rr
                    acc = xv[r, pl.ds(0, L)] * rows[r, pl.ds(0, L)]
                    for c in range(1, nch):
                        sl = pl.ds(c * L, L)
                        acc = acc + xv[r, sl] * rows[r, sl]
                    p_v[pl.ds(r * L, L)] = acc
                return carry
            lax.fori_loop(0, bpw // 2, row_pair, 0)

        dot_rows(pm_v)
        pltpu.async_copy(feats_hbm.at[idx2_v], rows, sem).wait()
        dot_rows(ph_v)
        pltpu.sync_copy(pm_v, p_hbm.at[pl.ds(base * L, bpw * L)])
        pltpu.sync_copy(ph_v, p_hbm.at[pl.ds(B * L + base * L, bpw * L)])

    return k(targets, x, feats)


def _lse_body(x_ref, feats_ref, lsesum_ref, inv_ref, fb_ref):
    i = pl.program_id(0)

    @pl.when(i == 0)
    def _cast():
        fb_ref[...] = feats_ref[...].astype(jnp.bfloat16)

    x = x_ref[...]
    norm = jnp.sqrt(jnp.sum(x * x, axis=1, keepdims=True))
    xn = x / jnp.maximum(norm, 1e-12)
    xnb = (xn * (LOG2E / TEMP)).astype(jnp.bfloat16)

    def tile_term(f_tile):
        l = lax.dot_general(xnb, f_tile, (((1,), (1,)), ((), ())),
                            preferred_element_type=jnp.float32)
        return jnp.sum(jnp.exp2(l), axis=1)

    acc_m = jnp.zeros((BR,), jnp.float32)
    acc_h = jnp.zeros((BR,), jnp.float32)
    for c in range(K // COLT):
        acc_m = acc_m + tile_term(fb_ref[pl.ds(c * COLT, COLT), :])
        acc_h = acc_h + tile_term(fb_ref[pl.ds(K + c * COLT, COLT), :])
    inv_ref[...] = 1.0 / (TEMP * jnp.maximum(norm[:, 0], 1e-12))
    block = jnp.sum(jnp.log(acc_m) + jnp.log(acc_h))

    @pl.when(i == 0)
    def _init():
        lsesum_ref[0, 0] = 0.0

    lsesum_ref[0, 0] += block


def _lse_call(x, feats, interpret=False):
    return pl.pallas_call(
        _lse_body,
        grid=(NBLK,),
        in_specs=[
            pl.BlockSpec((BR, D), lambda i: (i, 0)),
            pl.BlockSpec((2 * K, D), lambda i: (0, 0)),
        ],
        out_specs=[
            pl.BlockSpec((1, 1), lambda i: (0, 0), memory_space=pltpu.SMEM),
            pl.BlockSpec((BR,), lambda i: (i,)),
        ],
        out_shape=[
            jax.ShapeDtypeStruct((1, 1), jnp.float32),
            jax.ShapeDtypeStruct((B,), jnp.float32),
        ],
        scratch_shapes=[pltpu.VMEM((2 * K, D), jnp.bfloat16)],
        interpret=interpret,
    )(x, feats)


def _combine_body(p_ref, inv_ref, lsesum_ref, out_ref):
    pm = p_ref[pl.ds(0, B * L)].reshape(B * L // 128, 128)
    ph = p_ref[pl.ds(B * L, B * L)].reshape(B * L // 128, 128)
    gpr = 128 // L
    li = lax.broadcasted_iota(jnp.int32, (128, gpr), 0)
    gi = lax.broadcasted_iota(jnp.int32, (128, gpr), 1)
    w = (li // L == gi).astype(jnp.float32)
    s = lax.dot_general(pm + ph, w, (((1,), (0,)), ((), ())),
                        preferred_element_type=jnp.float32)
    t_total = jnp.sum(s * inv_ref[...])
    out_ref[0, 0] = (lsesum_ref[0, 0] - t_total) * (0.5 / B)


def _combine_call(p, inv, lsesum, interpret=False):
    return pl.pallas_call(
        _combine_body,
        in_specs=[
            pl.BlockSpec(memory_space=pltpu.VMEM),
            pl.BlockSpec(memory_space=pltpu.VMEM),
            pl.BlockSpec(memory_space=pltpu.SMEM),
        ],
        out_specs=pl.BlockSpec(memory_space=pltpu.SMEM),
        out_shape=jax.ShapeDtypeStruct((1, 1), jnp.float32),
        interpret=interpret,
    )(p, inv, lsesum)


def kernel(inputs, targets, features):
    tgt = targets.astype(jnp.int32)
    lsesum, inv = _lse_call(inputs, features)
    p = _sc_target_dots(tgt, inputs, features)
    out = _combine_call(p, inv.reshape(B * L // 128, 128 // L), lsesum)
    return out[0, 0]

# --- scband reference (transcript-rebuilt; emitter-appended) ---
"""Pipeline reference for scband-cluster-memory-amp-16234976378943 (READ-ONLY COPY).

The authoritative reference and input builder live on the scoring server;
editing this copy changes nothing except your own understanding.
"""

import jax, jax.numpy as jnp
import numpy as np

B = 4096
D = 256
K = 8192  # number of clusters; features has 2*K rows (mean + hard banks)
TEMP = 0.05


def setup_inputs(seed: int = 0) -> dict:
    key = jax.random.key(seed)
    k1, k2, k3 = jax.random.split(key, 3)
    inputs = jax.random.normal(k1, (B, D), dtype=jnp.float32)
    targets = jax.random.randint(k2, (B,), 0, K, dtype=jnp.int64)
    feats = jax.random.normal(k3, (2 * K, D), dtype=jnp.float32)
    # memory bank rows are kept L2-normalized in the original implementation
    feats = feats / jnp.linalg.norm(feats, axis=1, keepdims=True)
    return {"inputs": inputs, "targets": targets, "features": feats}


def _cross_entropy(logits, targets):
    logp = jax.nn.log_softmax(logits, axis=1)
    nll = -jnp.take_along_axis(logp, targets[:, None], axis=1)[:, 0]
    return jnp.mean(nll)


def reference(inputs, targets, features):
    # F.normalize(inputs, dim=1)
    x = inputs / jnp.clip(jnp.linalg.norm(inputs, axis=1, keepdims=True), 1e-12)
    # cm_mix forward: inputs.mm(features.t())  (features is a constant memory bank)
    outputs = x @ features.T
    outputs = outputs / TEMP
    mean, hard = jnp.split(outputs, 2, axis=1)
    loss = 0.5 * (_cross_entropy(hard, targets) + _cross_entropy(mean, targets))
    return loss

if __name__ == "__main__":
    import jax
    _d = setup_inputs()
    print(jax.jit(kernel)(*tuple(_d.values())))

</pallas_src>

<mosaic_0001>
#map = affine_map<(d0, d1) -> (0)>
#map1 = affine_map<(d0, d1) -> (0, 0)>
module attributes {stable_mosaic.version = 14 : i64} {
  func.func @k(%arg0: i32, %arg1: i32, %arg2: memref<4096xi32, #tpu.memory_space<hbm>>, %arg3: memref<4096x256xf32, #tpu.memory_space<hbm>>, %arg4: memref<16384x256xf32, #tpu.memory_space<hbm>>, %arg5: memref<131072xf32, #tpu.memory_space<hbm>>, %arg6: memref<128xi32, #tpu.memory_space<vmem>>, %arg7: memref<128xi32, #tpu.memory_space<vmem>>, %arg8: memref<128x256xf32, #tpu.memory_space<vmem>>, %arg9: memref<128x256xf32, #tpu.memory_space<vmem>>, %arg10: memref<2048xf32, #tpu.memory_space<vmem>>, %arg11: memref<2048xf32, #tpu.memory_space<vmem>>, %arg12: memref<!tpu.dma_semaphore, #tpu.memory_space<semaphore_mem>>) attributes {dimension_semantics = [#tpu.dimension_semantics<core_parallel>, #tpu.dimension_semantics<subcore_parallel>], iteration_bounds = array<i64: 2, 16>, scalar_prefetch = 0 : i64, scratch_operands = 7 : i64, tpu.core_type = #tpu.core_type<sc_vector_subcore>, window_params = [{transform_indices = #map}, {transform_indices = #map1}, {transform_indices = #map1}, {transform_indices = #map}]} {
    %mul3A = arith.constant 2 : i32
    %mul3A_0 = arith.muli %arg1, %mul3A : i32
    %add3A = arith.addi %mul3A_0, %arg0 : i32
    %mul3A_1 = arith.constant 128 : i32
    %mul3A_2 = arith.muli %add3A, %mul3A_1 : i32
    "tpu.region"() ({
      %run_scoped3A = tpu.sem_alloc : memref<!tpu.dma_semaphore, #tpu.memory_space<semaphore_mem>>
      %dma_start3A_108 = tpu.memref_slice %arg2[%mul3A_2] : memref<4096xi32, #tpu.memory_space<hbm>> -> memref<128xi32, #tpu.memory_space<hbm>>
      %dma_start3A_109 = tpu.memref_slice %arg2[%mul3A_2] : memref<4096xi32, #tpu.memory_space<hbm>> -> memref<128xi32, #tpu.memory_space<hbm>>
      tpu.enqueue_dma source(%dma_start3A_109 : memref<128xi32, #tpu.memory_space<hbm>>) target(%arg6 : memref<128xi32, #tpu.memory_space<vmem>>) target_semaphore(%run_scoped3A : memref<!tpu.dma_semaphore, #tpu.memory_space<semaphore_mem>>)
      %dma_wait3A_110 = tpu.memref_slice %arg2[%mul3A_2] : memref<4096xi32, #tpu.memory_space<hbm>> -> memref<128xi32, #tpu.memory_space<hbm>>
      %dma_wait3A_111 = tpu.memref_slice %arg2[%mul3A_2] : memref<4096xi32, #tpu.memory_space<hbm>> -> memref<128xi32, #tpu.memory_space<hbm>>
      tpu.wait_dma2 semaphore(%run_scoped3A : memref<!tpu.dma_semaphore, #tpu.memory_space<semaphore_mem>>) src(%dma_wait3A_111 : memref<128xi32, #tpu.memory_space<hbm>>) dst(%arg6 : memref<128xi32, #tpu.memory_space<vmem>>)
      tpu.yield
    }) : () -> ()
    %get3A = arith.constant 0 : index
    %get3A_3 = tpu.vector_load %arg6[%get3A] {strides = array<i32>} : memref<128xi32, #tpu.memory_space<vmem>>, vector<16xi32>,
    %get3A_4 = vector.shape_cast %get3A_3 : vector<16xi32> to vector<16xi32>
    %add3A_5 = arith.constant 8192 : i32
    %add3A_6 = vector.broadcast %add3A_5 : i32 to vector<16xi32>
    %add3A_7 = arith.addi %get3A_4, %add3A_6 : vector<16xi32>
    %swap3A = arith.constant 0 : index
    %swap3A_8 = tpu.vector_load %arg7[%swap3A] {strides = array<i32>} : memref<128xi32, #tpu.memory_space<vmem>>, vector<16xi32>,
    %swap3A_9 = vector.shape_cast %swap3A_8 : vector<16xi32> to vector<16xi32>
    %swap3A_10 = vector.shape_cast %add3A_7 : vector<16xi32> to vector<16xi32>
    tpu.vector_store %arg7[%swap3A], %swap3A_10 {strides = array<i32>} : memref<128xi32, #tpu.memory_space<vmem>>, vector<16xi32>,
    %get3A_11 = arith.constant 16 : index
    %get3A_12 = tpu.vector_load %arg6[%get3A_11] {strides = array<i32>} : memref<128xi32, #tpu.memory_space<vmem>>, vector<16xi32>,
    %get3A_13 = vector.shape_cast %get3A_12 : vector<16xi32> to vector<16xi32>
    %add3A_14 = arith.constant 8192 : i32
    %add3A_15 = vector.broadcast %add3A_14 : i32 to vector<16xi32>
    %add3A_16 = arith.addi %get3A_13, %add3A_15 : vector<16xi32>
    %swap3A_17 = arith.constant 16 : index
    %swap3A_18 = tpu.vector_load %arg7[%swap3A_17] {strides = array<i32>} : memref<128xi32, #tpu.memory_space<vmem>>, vector<16xi32>,
    %swap3A_19 = vector.shape_cast %swap3A_18 : vector<16xi32> to vector<16xi32>
    %swap3A_20 = vector.shape_cast %add3A_16 : vector<16xi32> to vector<16xi32>
    tpu.vector_store %arg7[%swap3A_17], %swap3A_20 {strides = array<i32>} : memref<128xi32, #tpu.memory_space<vmem>>, vector<16xi32>,
    %get3A_21 = arith.constant 32 : index
    %get3A_22 = tpu.vector_load %arg6[%get3A_21] {strides = array<i32>} : memref<128xi32, #tpu.memory_space<vmem>>, vector<16xi32>,
    %get3A_23 = vector.shape_cast %get3A_22 : vector<16xi32> to vector<16xi32>
    %add3A_24 = arith.constant 8192 : i32
    %add3A_25 = vector.broadcast %add3A_24 : i32 to vector<16xi32>
    %add3A_26 = arith.addi %get3A_23, %add3A_25 : vector<16xi32>
    %swap3A_27 = arith.constant 32 : index
    %swap3A_28 = tpu.vector_load %arg7[%swap3A_27] {strides = array<i32>} : memref<128xi32, #tpu.memory_space<vmem>>, vector<16xi32>,
    %swap3A_29 = vector.shape_cast %swap3A_28 : vector<16xi32> to vector<16xi32>
    %swap3A_30 = vector.shape_cast %add3A_26 : vector<16xi32> to vector<16xi32>
    tpu.vector_store %arg7[%swap3A_27], %swap3A_30 {strides = array<i32>} : memref<128xi32, #tpu.memory_space<vmem>>, vector<16xi32>,
    %get3A_31 = arith.constant 48 : index
    %get3A_32 = tpu.vector_load %arg6[%get3A_31] {strides = array<i32>} : memref<128xi32, #tpu.memory_space<vmem>>, vector<16xi32>,
    %get3A_33 = vector.shape_cast %get3A_32 : vector<16xi32> to vector<16xi32>
    %add3A_34 = arith.constant 8192 : i32
    %add3A_35 = vector.broadcast %add3A_34 : i32 to vector<16xi32>
    %add3A_36 = arith.addi %get3A_33, %add3A_35 : vector<16xi32>
    %swap3A_37 = arith.constant 48 : index
    %swap3A_38 = tpu.vector_load %arg7[%swap3A_37] {strides = array<i32>} : memref<128xi32, #tpu.memory_space<vmem>>, vector<16xi32>,
    %swap3A_39 = vector.shape_cast %swap3A_38 : vector<16xi32> to vector<16xi32>
    %swap3A_40 = vector.shape_cast %add3A_36 : vector<16xi32> to vector<16xi32>
    tpu.vector_store %arg7[%swap3A_37], %swap3A_40 {strides = array<i32>} : memref<128xi32, #tpu.memory_space<vmem>>, vector<16xi32>,
    %get3A_41 = arith.constant 64 : index
    %get3A_42 = tpu.vector_load %arg6[%get3A_41] {strides = array<i32>} : memref<128xi32, #tpu.memory_space<vmem>>, vector<16xi32>,
    %get3A_43 = vector.shape_cast %get3A_42 : vector<16xi32> to vector<16xi32>
    %add3A_44 = arith.constant 8192 : i32
    %add3A_45 = vector.broadcast %add3A_44 : i32 to vector<16xi32>
    %add3A_46 = arith.addi %get3A_43, %add3A_45 : vector<16xi32>
    %swap3A_47 = arith.constant 64 : index
    %swap3A_48 = tpu.vector_load %arg7[%swap3A_47] {strides = array<i32>} : memref<128xi32, #tpu.memory_space<vmem>>, vector<16xi32>,
    %swap3A_49 = vector.shape_cast %swap3A_48 : vector<16xi32> to vector<16xi32>
    %swap3A_50 = vector.shape_cast %add3A_46 : vector<16xi32> to vector<16xi32>
    tpu.vector_store %arg7[%swap3A_47], %swap3A_50 {strides = array<i32>} : memref<128xi32, #tpu.memory_space<vmem>>, vector<16xi32>,
    %get3A_51 = arith.constant 80 : index
    %get3A_52 = tpu.vector_load %arg6[%get3A_51] {strides = array<i32>} : memref<128xi32, #tpu.memory_space<vmem>>, vector<16xi32>,
    %get3A_53 = vector.shape_cast %get3A_52 : vector<16xi32> to vector<16xi32>
    %add3A_54 = arith.constant 8192 : i32
    %add3A_55 = vector.broadcast %add3A_54 : i32 to vector<16xi32>
    %add3A_56 = arith.addi %get3A_53, %add3A_55 : vector<16xi32>
    %swap3A_57 = arith.constant 80 : index
    %swap3A_58 = tpu.vector_load %arg7[%swap3A_57] {strides = array<i32>} : memref<128xi32, #tpu.memory_space<vmem>>, vector<16xi32>,
    %swap3A_59 = vector.shape_cast %swap3A_58 : vector<16xi32> to vector<16xi32>
    %swap3A_60 = vector.shape_cast %add3A_56 : vector<16xi32> to vector<16xi32>
    tpu.vector_store %arg7[%swap3A_57], %swap3A_60 {strides = array<i32>} : memref<128xi32, #tpu.memory_space<vmem>>, vector<16xi32>,
    %get3A_61 = arith.constant 96 : index
    %get3A_62 = tpu.vector_load %arg6[%get3A_61] {strides = array<i32>} : memref<128xi32, #tpu.memory_space<vmem>>, vector<16xi32>,
    %get3A_63 = vector.shape_cast %get3A_62 : vector<16xi32> to vector<16xi32>
    %add3A_64 = arith.constant 8192 : i32
    %add3A_65 = vector.broadcast %add3A_64 : i32 to vector<16xi32>
    %add3A_66 = arith.addi %get3A_63, %add3A_65 : vector<16xi32>
    %swap3A_67 = arith.constant 96 : index
    %swap3A_68 = tpu.vector_load %arg7[%swap3A_67] {strides = array<i32>} : memref<128xi32, #tpu.memory_space<vmem>>, vector<16xi32>,
    %swap3A_69 = vector.shape_cast %swap3A_68 : vector<16xi32> to vector<16xi32>
    %swap3A_70 = vector.shape_cast %add3A_66 : vector<16xi32> to vector<16xi32>
    tpu.vector_store %arg7[%swap3A_67], %swap3A_70 {strides = array<i32>} : memref<128xi32, #tpu.memory_space<vmem>>, vector<16xi32>,
    %get3A_71 = arith.constant 112 : index
    %get3A_72 = tpu.vector_load %arg6[%get3A_71] {strides = array<i32>} : memref<128xi32, #tpu.memory_space<vmem>>, vector<16xi32>,
    %get3A_73 = vector.shape_cast %get3A_72 : vector<16xi32> to vector<16xi32>
    %add3A_74 = arith.constant 8192 : i32
    %add3A_75 = vector.broadcast %add3A_74 : i32 to vector<16xi32>
    %add3A_76 = arith.addi %get3A_73, %add3A_75 : vector<16xi32>
    %swap3A_77 = arith.constant 112 : index
    %swap3A_78 = tpu.vector_load %arg7[%swap3A_77] {strides = array<i32>} : memref<128xi32, #tpu.memory_space<vmem>>, vector<16xi32>,
    %swap3A_79 = vector.shape_cast %swap3A_78 : vector<16xi32> to vector<16xi32>
    %swap3A_80 = vector.shape_cast %add3A_76 : vector<16xi32> to vector<16xi32>
    tpu.vector_store %arg7[%swap3A_77], %swap3A_80 {strides = array<i32>} : memref<128xi32, #tpu.memory_space<vmem>>, vector<16xi32>,
    %dma_start3A = arith.constant 0 : i32
    %dma_start3A_81 = arith.constant 0 : i32
    %dma_start3A_82 = tpu.memref_slice %arg4[%dma_start3A, %dma_start3A_81] : memref<16384x256xf32, #tpu.memory_space<hbm>> -> memref<16384x256xf32, #tpu.memory_space<hbm>>
    tpu.enqueue_indirect_dma source(%dma_start3A_82 : memref<16384x256xf32, #tpu.memory_space<hbm>>) target(%arg8 : memref<128x256xf32, #tpu.memory_space<vmem>>) offsets(%arg6 : memref<128xi32, #tpu.memory_space<vmem>>) semaphore(%arg12 : memref<!tpu.dma_semaphore, #tpu.memory_space<semaphore_mem>>)
    "tpu.region"() ({
      %run_scoped3A = tpu.sem_alloc : memref<!tpu.dma_semaphore, #tpu.memory_space<semaphore_mem>>
      %dma_start3A_108 = arith.constant 0 : i32
      %dma_start3A_109 = tpu.memref_slice %arg3[%mul3A_2, %dma_start3A_108] : memref<4096x256xf32, #tpu.memory_space<hbm>> -> memref<128x256xf32, #tpu.memory_space<hbm>>
      %dma_start3A_110 = arith.constant 0 : i32
      %dma_start3A_111 = tpu.memref_slice %arg3[%mul3A_2, %dma_start3A_110] : memref<4096x256xf32, #tpu.memory_space<hbm>> -> memref<128x256xf32, #tpu.memory_space<hbm>>
      tpu.enqueue_dma source(%dma_start3A_111 : memref<128x256xf32, #tpu.memory_space<hbm>>) target(%arg9 : memref<128x256xf32, #tpu.memory_space<vmem>>) target_semaphore(%run_scoped3A : memref<!tpu.dma_semaphore, #tpu.memory_space<semaphore_mem>>)
      %dma_wait3A_112 = arith.constant 0 : i32
      %dma_wait3A_113 = tpu.memref_slice %arg3[%mul3A_2, %dma_wait3A_112] : memref<4096x256xf32, #tpu.memory_space<hbm>> -> memref<128x256xf32, #tpu.memory_space<hbm>>
      %dma_wait3A_114 = arith.constant 0 : i32
      %dma_wait3A_115 = tpu.memref_slice %arg3[%mul3A_2, %dma_wait3A_114] : memref<4096x256xf32, #tpu.memory_space<hbm>> -> memref<128x256xf32, #tpu.memory_space<hbm>>
      tpu.wait_dma2 semaphore(%run_scoped3A : memref<!tpu.dma_semaphore, #tpu.memory_space<semaphore_mem>>) src(%dma_wait3A_115 : memref<128x256xf32, #tpu.memory_space<hbm>>) dst(%arg9 : memref<128x256xf32, #tpu.memory_space<vmem>>)
      tpu.yield
    }) : () -> ()
    %dma_wait3A = arith.constant 0 : i32
    %dma_wait3A_83 = arith.constant 0 : i32
    %dma_wait3A_84 = tpu.memref_slice %arg4[%dma_wait3A, %dma_wait3A_83] : memref<16384x256xf32, #tpu.memory_space<hbm>> -> memref<16384x256xf32, #tpu.memory_space<hbm>>
    tpu.wait_indirect_dma semaphore(%arg12 : memref<!tpu.dma_semaphore, #tpu.memory_space<semaphore_mem>>) src(%dma_wait3A_84 : memref<16384x256xf32, #tpu.memory_space<hbm>>) dst(%arg8 : memref<128x256xf32, #tpu.memory_space<vmem>>)
    %scan3A = arith.constant 0 : i32
    %scan3A_85 = arith.constant 0 : i32
    %scan3A_86 = arith.constant 64 : i32
    %scan3A_87 = arith.addi %scan3A_85, %scan3A_86 : i32
    %scan3A_88 = arith.constant 1 : i32
    scf.for %scan3A_108 = %scan3A_85 to %scan3A_87 step %scan3A_88  : i32 {
      %mul3A_109 = arith.constant 2 : i32
      %mul3A_110 = arith.muli %scan3A_108, %mul3A_109 : i32
      %add3A_111 = arith.constant 0 : i32
      %add3A_112 = arith.addi %mul3A_110, %add3A_111 : i32
      %get3A_113 = arith.index_cast %add3A_112 : i32 to index
      %get3A_114 = arith.constant 0 : index
      %get3A_115 = tpu.vector_load %arg9[%get3A_113, %get3A_114] {strides = array<i32>} : memref<128x256xf32, #tpu.memory_space<vmem>>, vector<1x16xf32>,
      %get3A_116 = vector.shape_cast %get3A_115 : vector<1x16xf32> to vector<16xf32>
      %get3A_117 = arith.index_cast %add3A_112 : i32 to index
      %get3A_118 = arith.constant 0 : index
      %get3A_119 = tpu.vector_load %arg8[%get3A_117, %get3A_118] {strides = array<i32>} : memref<128x256xf32, #tpu.memory_space<vmem>>, vector<1x16xf32>,
      %get3A_120 = vector.shape_cast %get3A_119 : vector<1x16xf32> to vector<16xf32>
      %mul3A_121 = arith.mulf %get3A_116, %get3A_120 : vector<16xf32>
      %get3A_122 = arith.index_cast %add3A_112 : i32 to index
      %get3A_123 = arith.constant 16 : index
      %get3A_124 = tpu.vector_load %arg9[%get3A_122, %get3A_123] {strides = array<i32>} : memref<128x256xf32, #tpu.memory_space<vmem>>, vector<1x16xf32>,
      %get3A_125 = vector.shape_cast %get3A_124 : vector<1x16xf32> to vector<16xf32>
      %get3A_126 = arith.index_cast %add3A_112 : i32 to index
      %get3A_127 = arith.constant 16 : index
      %get3A_128 = tpu.vector_load %arg8[%get3A_126, %get3A_127] {strides = array<i32>} : memref<128x256xf32, #tpu.memory_space<vmem>>, vector<1x16xf32>,
      %get3A_129 = vector.shape_cast %get3A_128 : vector<1x16xf32> to vector<16xf32>
      %mul3A_130 = arith.mulf %get3A_125, %get3A_129 : vector<16xf32>
      %add3A_131 = arith.addf %mul3A_121, %mul3A_130 : vector<16xf32>
      %get3A_132 = arith.index_cast %add3A_112 : i32 to index
      %get3A_133 = arith.constant 32 : index
      %get3A_134 = tpu.vector_load %arg9[%get3A_132, %get3A_133] {strides = array<i32>} : memref<128x256xf32, #tpu.memory_space<vmem>>, vector<1x16xf32>,
      %get3A_135 = vector.shape_cast %get3A_134 : vector<1x16xf32> to vector<16xf32>
      %get3A_136 = arith.index_cast %add3A_112 : i32 to index
      %get3A_137 = arith.constant 32 : index
      %get3A_138 = tpu.vector_load %arg8[%get3A_136, %get3A_137] {strides = array<i32>} : memref<128x256xf32, #tpu.memory_space<vmem>>, vector<1x16xf32>,
      %get3A_139 = vector.shape_cast %get3A_138 : vector<1x16xf32> to vector<16xf32>
      %mul3A_140 = arith.mulf %get3A_135, %get3A_139 : vector<16xf32>
      %add3A_141 = arith.addf %add3A_131, %mul3A_140 : vector<16xf32>
      %get3A_142 = arith.index_cast %add3A_112 : i32 to index
      %get3A_143 = arith.constant 48 : index
      %get3A_144 = tpu.vector_load %arg9[%get3A_142, %get3A_143] {strides = array<i32>} : memref<128x256xf32, #tpu.memory_space<vmem>>, vector<1x16xf32>,
      %get3A_145 = vector.shape_cast %get3A_144 : vector<1x16xf32> to vector<16xf32>
      %get3A_146 = arith.index_cast %add3A_112 : i32 to index
      %get3A_147 = arith.constant 48 : index
      %get3A_148 = tpu.vector_load %arg8[%get3A_146, %get3A_147] {strides = array<i32>} : memref<128x256xf32, #tpu.memory_space<vmem>>, vector<1x16xf32>,
      %get3A_149 = vector.shape_cast %get3A_148 : vector<1x16xf32> to vector<16xf32>
      %mul3A_150 = arith.mulf %get3A_145, %get3A_149 : vector<16xf32>
      %add3A_151 = arith.addf %add3A_141, %mul3A_150 : vector<16xf32>
      %get3A_152 = arith.index_cast %add3A_112 : i32 to index
      %get3A_153 = arith.constant 64 : index
      %get3A_154 = tpu.vector_load %arg9[%get3A_152, %get3A_153] {strides = array<i32>} : memref<128x256xf32, #tpu.memory_space<vmem>>, vector<1x16xf32>,
      %get3A_155 = vector.shape_cast %get3A_154 : vector<1x16xf32> to vector<16xf32>
      %get3A_156 = arith.index_cast %add3A_112 : i32 to index
      %get3A_157 = arith.constant 64 : index
      %get3A_158 = tpu.vector_load %arg8[%get3A_156, %get3A_157] {strides = array<i32>} : memref<128x256xf32, #tpu.memory_space<vmem>>, vector<1x16xf32>,
      %get3A_159 = vector.shape_cast %get3A_158 : vector<1x16xf32> to vector<16xf32>
      %mul3A_160 = arith.mulf %get3A_155, %get3A_159 : vector<16xf32>
      %add3A_161 = arith.addf %add3A_151, %mul3A_160 : vector<16xf32>
      %get3A_162 = arith.index_cast %add3A_112 : i32 to index
      %get3A_163 = arith.constant 80 : index
      %get3A_164 = tpu.vector_load %arg9[%get3A_162, %get3A_163] {strides = array<i32>} : memref<128x256xf32, #tpu.memory_space<vmem>>, vector<1x16xf32>,
      %get3A_165 = vector.shape_cast %get3A_164 : vector<1x16xf32> to vector<16xf32>
      %get3A_166 = arith.index_cast %add3A_112 : i32 to index
      %get3A_167 = arith.constant 80 : index
      %get3A_168 = tpu.vector_load %arg8[%get3A_166, %get3A_167] {strides = array<i32>} : memref<128x256xf32, #tpu.memory_space<vmem>>, vector<1x16xf32>,
      %get3A_169 = vector.shape_cast %get3A_168 : vector<1x16xf32> to vector<16xf32>
      %mul3A_170 = arith.mulf %get3A_165, %get3A_169 : vector<16xf32>
      %add3A_171 = arith.addf %add3A_161, %mul3A_170 : vector<16xf32>
      %get3A_172 = arith.index_cast %add3A_112 : i32 to index
      %get3A_173 = arith.constant 96 : index
      %get3A_174 = tpu.vector_load %arg9[%get3A_172, %get3A_173] {strides = array<i32>} : memref<128x256xf32, #tpu.memory_space<vmem>>, vector<1x16xf32>,
      %get3A_175 = vector.shape_cast %get3A_174 : vector<1x16xf32> to vector<16xf32>
      %get3A_176 = arith.index_cast %add3A_112 : i32 to index
      %get3A_177 = arith.constant 96 : index
      %get3A_178 = tpu.vector_load %arg8[%get3A_176, %get3A_177] {strides = array<i32>} : memref<128x256xf32, #tpu.memory_space<vmem>>, vector<1x16xf32>,
      %get3A_179 = vector.shape_cast %get3A_178 : vector<1x16xf32> to vector<16xf32>
      %mul3A_180 = arith.mulf %get3A_175, %get3A_179 : vector<16xf32>
      %add3A_181 = arith.addf %add3A_171, %mul3A_180 : vector<16xf32>
      %get3A_182 = arith.index_cast %add3A_112 : i32 to index
      %get3A_183 = arith.constant 112 : index
      %get3A_184 = tpu.vector_load %arg9[%get3A_182, %get3A_183] {strides = array<i32>} : memref<128x256xf32, #tpu.memory_space<vmem>>, vector<1x16xf32>,
      %get3A_185 = vector.shape_cast %get3A_184 : vector<1x16xf32> to vector<16xf32>
      %get3A_186 = arith.index_cast %add3A_112 : i32 to index
      %get3A_187 = arith.constant 112 : index
      %get3A_188 = tpu.vector_load %arg8[%get3A_186, %get3A_187] {strides = array<i32>} : memref<128x256xf32, #tpu.memory_space<vmem>>, vector<1x16xf32>,
      %get3A_189 = vector.shape_cast %get3A_188 : vector<1x16xf32> to vector<16xf32>
      %mul3A_190 = arith.mulf %get3A_185, %get3A_189 : vector<16xf32>
      %add3A_191 = arith.addf %add3A_181, %mul3A_190 : vector<16xf32>
      %get3A_192 = arith.index_cast %add3A_112 : i32 to index
      %get3A_193 = arith.constant 128 : index
      %get3A_194 = tpu.vector_load %arg9[%get3A_192, %get3A_193] {strides = array<i32>} : memref<128x256xf32, #tpu.memory_space<vmem>>, vector<1x16xf32>,
      %get3A_195 = vector.shape_cast %get3A_194 : vector<1x16xf32> to vector<16xf32>
      %get3A_196 = arith.index_cast %add3A_112 : i32 to index
      %get3A_197 = arith.constant 128 : index
      %get3A_198 = tpu.vector_load %arg8[%get3A_196, %get3A_197] {strides = array<i32>} : memref<128x256xf32, #tpu.memory_space<vmem>>, vector<1x16xf32>,
      %get3A_199 = vector.shape_cast %get3A_198 : vector<1x16xf32> to vector<16xf32>
      %mul3A_200 = arith.mulf %get3A_195, %get3A_199 : vector<16xf32>
      %add3A_201 = arith.addf %add3A_191, %mul3A_200 : vector<16xf32>
      %get3A_202 = arith.index_cast %add3A_112 : i32 to index
      %get3A_203 = arith.constant 144 : index
      %get3A_204 = tpu.vector_load %arg9[%get3A_202, %get3A_203] {strides = array<i32>} : memref<128x256xf32, #tpu.memory_space<vmem>>, vector<1x16xf32>,
      %get3A_205 = vector.shape_cast %get3A_204 : vector<1x16xf32> to vector<16xf32>
      %get3A_206 = arith.index_cast %add3A_112 : i32 to index
      %get3A_207 = arith.constant 144 : index
      %get3A_208 = tpu.vector_load %arg8[%get3A_206, %get3A_207] {strides = array<i32>} : memref<128x256xf32, #tpu.memory_space<vmem>>, vector<1x16xf32>,
      %get3A_209 = vector.shape_cast %get3A_208 : vector<1x16xf32> to vector<16xf32>
      %mul3A_210 = arith.mulf %get3A_205, %get3A_209 : vector<16xf32>
      %add3A_211 = arith.addf %add3A_201, %mul3A_210 : vector<16xf32>
      %get3A_212 = arith.index_cast %add3A_112 : i32 to index
      %get3A_213 = arith.constant 160 : index
      %get3A_214 = tpu.vector_load %arg9[%get3A_212, %get3A_213] {strides = array<i32>} : memref<128x256xf32, #tpu.memory_space<vmem>>, vector<1x16xf32>,
      %get3A_215 = vector.shape_cast %get3A_214 : vector<1x16xf32> to vector<16xf32>
      %get3A_216 = arith.index_cast %add3A_112 : i32 to index
      %get3A_217 = arith.constant 160 : index
      %get3A_218 = tpu.vector_load %arg8[%get3A_216, %get3A_217] {strides = array<i32>} : memref<128x256xf32, #tpu.memory_space<vmem>>, vector<1x16xf32>,
      %get3A_219 = vector.shape_cast %get3A_218 : vector<1x16xf32> to vector<16xf32>
      %mul3A_220 = arith.mulf %get3A_215, %get3A_219 : vector<16xf32>
      %add3A_221 = arith.addf %add3A_211, %mul3A_220 : vector<16xf32>
      %get3A_222 = arith.index_cast %add3A_112 : i32 to index
      %get3A_223 = arith.constant 176 : index
      %get3A_224 = tpu.vector_load %arg9[%get3A_222, %get3A_223] {strides = array<i32>} : memref<128x256xf32, #tpu.memory_space<vmem>>, vector<1x16xf32>,
      %get3A_225 = vector.shape_cast %get3A_224 : vector<1x16xf32> to vector<16xf32>
      %get3A_226 = arith.index_cast %add3A_112 : i32 to index
      %get3A_227 = arith.constant 176 : index
      %get3A_228 = tpu.vector_load %arg8[%get3A_226, %get3A_227] {strides = array<i32>} : memref<128x256xf32, #tpu.memory_space<vmem>>, vector<1x16xf32>,
      %get3A_229 = vector.shape_cast %get3A_228 : vector<1x16xf32> to vector<16xf32>
      %mul3A_230 = arith.mulf %get3A_225, %get3A_229 : vector<16xf32>
      %add3A_231 = arith.addf %add3A_221, %mul3A_230 : vector<16xf32>
      %get3A_232 = arith.index_cast %add3A_112 : i32 to index
      %get3A_233 = arith.constant 192 : index
      %get3A_234 = tpu.vector_load %arg9[%get3A_232, %get3A_233] {strides = array<i32>} : memref<128x256xf32, #tpu.memory_space<vmem>>, vector<1x16xf32>,
      %get3A_235 = vector.shape_cast %get3A_234 : vector<1x16xf32> to vector<16xf32>
      %get3A_236 = arith.index_cast %add3A_112 : i32 to index
      %get3A_237 = arith.constant 192 : index
      %get3A_238 = tpu.vector_load %arg8[%get3A_236, %get3A_237] {strides = array<i32>} : memref<128x256xf32, #tpu.memory_space<vmem>>, vector<1x16xf32>,
      %get3A_239 = vector.shape_cast %get3A_238 : vector<1x16xf32> to vector<16xf32>
      %mul3A_240 = arith.mulf %get3A_235, %get3A_239 : vector<16xf32>
      %add3A_241 = arith.addf %add3A_231, %mul3A_240 : vector<16xf32>
      %get3A_242 = arith.index_cast %add3A_112 : i32 to index
      %get3A_243 = arith.constant 208 : index
      %get3A_244 = tpu.vector_load %arg9[%get3A_242, %get3A_243] {strides = array<i32>} : memref<128x256xf32, #tpu.memory_space<vmem>>, vector<1x16xf32>,
      %get3A_245 = vector.shape_cast %get3A_244 : vector<1x16xf32> to vector<16xf32>
      %get3A_246 = arith.index_cast %add3A_112 : i32 to index
      %get3A_247 = arith.constant 208 : index
      %get3A_248 = tpu.vector_load %arg8[%get3A_246, %get3A_247] {strides = array<i32>} : memref<128x256xf32, #tpu.memory_space<vmem>>, vector<1x16xf32>,
      %get3A_249 = vector.shape_cast %get3A_248 : vector<1x16xf32> to vector<16xf32>
      %mul3A_250 = arith.mulf %get3A_245, %get3A_249 : vector<16xf32>
      %add3A_251 = arith.addf %add3A_241, %mul3A_250 : vector<16xf32>
      %get3A_252 = arith.index_cast %add3A_112 : i32 to index
      %get3A_253 = arith.constant 224 : index
      %get3A_254 = tpu.vector_load %arg9[%get3A_252, %get3A_253] {strides = array<i32>} : memref<128x256xf32, #tpu.memory_space<vmem>>, vector<1x16xf32>,
      %get3A_255 = vector.shape_cast %get3A_254 : vector<1x16xf32> to vector<16xf32>
      %get3A_256 = arith.index_cast %add3A_112 : i32 to index
      %get3A_257 = arith.constant 224 : index
      %get3A_258 = tpu.vector_load %arg8[%get3A_256, %get3A_257] {strides = array<i32>} : memref<128x256xf32, #tpu.memory_space<vmem>>, vector<1x16xf32>,
      %get3A_259 = vector.shape_cast %get3A_258 : vector<1x16xf32> to vector<16xf32>
      %mul3A_260 = arith.mulf %get3A_255, %get3A_259 : vector<16xf32>
      %add3A_261 = arith.addf %add3A_251, %mul3A_260 : vector<16xf32>
      %get3A_262 = arith.index_cast %add3A_112 : i32 to index
      %get3A_263 = arith.constant 240 : index
      %get3A_264 = tpu.vector_load %arg9[%get3A_262, %get3A_263] {strides = array<i32>} : memref<128x256xf32, #tpu.memory_space<vmem>>, vector<1x16xf32>,
      %get3A_265 = vector.shape_cast %get3A_264 : vector<1x16xf32> to vector<16xf32>
      %get3A_266 = arith.index_cast %add3A_112 : i32 to index
      %get3A_267 = arith.constant 240 : index
      %get3A_268 = tpu.vector_load %arg8[%get3A_266, %get3A_267] {strides = array<i32>} : memref<128x256xf32, #tpu.memory_space<vmem>>, vector<1x16xf32>,
      %get3A_269 = vector.shape_cast %get3A_268 : vector<1x16xf32> to vector<16xf32>
      %mul3A_270 = arith.mulf %get3A_265, %get3A_269 : vector<16xf32>
      %add3A_271 = arith.addf %add3A_261, %mul3A_270 : vector<16xf32>
      %mul3A_272 = arith.constant 16 : i32
      %mul3A_273 = arith.muli %add3A_112, %mul3A_272 : i32
      %swap3A_274 = arith.index_cast %mul3A_273 : i32 to index
      %swap3A_275 = tpu.vector_load %arg10[%swap3A_274] {strides = array<i32>} : memref<2048xf32, #tpu.memory_space<vmem>>, vector<16xf32>,
      %swap3A_276 = vector.shape_cast %swap3A_275 : vector<16xf32> to vector<16xf32>
      %swap3A_277 = vector.shape_cast %add3A_271 : vector<16xf32> to vector<16xf32>
      tpu.vector_store %arg10[%swap3A_274], %swap3A_277 {strides = array<i32>} : memref<2048xf32, #tpu.memory_space<vmem>>, vector<16xf32>,
      %mul3A_278 = arith.constant 2 : i32
      %mul3A_279 = arith.muli %scan3A_108, %mul3A_278 : i32
      %add3A_280 = arith.constant 1 : i32
      %add3A_281 = arith.addi %mul3A_279, %add3A_280 : i32
      %get3A_282 = arith.index_cast %add3A_281 : i32 to index
      %get3A_283 = arith.constant 0 : index
      %get3A_284 = tpu.vector_load %arg9[%get3A_282, %get3A_283] {strides = array<i32>} : memref<128x256xf32, #tpu.memory_space<vmem>>, vector<1x16xf32>,
      %get3A_285 = vector.shape_cast %get3A_284 : vector<1x16xf32> to vector<16xf32>
      %get3A_286 = arith.index_cast %add3A_281 : i32 to index
      %get3A_287 = arith.constant 0 : index
      %get3A_288 = tpu.vector_load %arg8[%get3A_286, %get3A_287] {strides = array<i32>} : memref<128x256xf32, #tpu.memory_space<vmem>>, vector<1x16xf32>,
      %get3A_289 = vector.shape_cast %get3A_288 : vector<1x16xf32> to vector<16xf32>
      %mul3A_290 = arith.mulf %get3A_285, %get3A_289 : vector<16xf32>
      %get3A_291 = arith.index_cast %add3A_281 : i32 to index
      %get3A_292 = arith.constant 16 : index
      %get3A_293 = tpu.vector_load %arg9[%get3A_291, %get3A_292] {strides = array<i32>} : memref<128x256xf32, #tpu.memory_space<vmem>>, vector<1x16xf32>,
      %get3A_294 = vector.shape_cast %get3A_293 : vector<1x16xf32> to vector<16xf32>
      %get3A_295 = arith.index_cast %add3A_281 : i32 to index
      %get3A_296 = arith.constant 16 : index
      %get3A_297 = tpu.vector_load %arg8[%get3A_295, %get3A_296] {strides = array<i32>} : memref<128x256xf32, #tpu.memory_space<vmem>>, vector<1x16xf32>,
      %get3A_298 = vector.shape_cast %get3A_297 : vector<1x16xf32> to vector<16xf32>
      %mul3A_299 = arith.mulf %get3A_294, %get3A_298 : vector<16xf32>
      %add3A_300 = arith.addf %mul3A_290, %mul3A_299 : vector<16xf32>
      %get3A_301 = arith.index_cast %add3A_281 : i32 to index
      %get3A_302 = arith.constant 32 : index
      %get3A_303 = tpu.vector_load %arg9[%get3A_301, %get3A_302] {strides = array<i32>} : memref<128x256xf32, #tpu.memory_space<vmem>>, vector<1x16xf32>,
      %get3A_304 = vector.shape_cast %get3A_303 : vector<1x16xf32> to vector<16xf32>
      %get3A_305 = arith.index_cast %add3A_281 : i32 to index
      %get3A_306 = arith.constant 32 : index
      %get3A_307 = tpu.vector_load %arg8[%get3A_305, %get3A_306] {strides = array<i32>} : memref<128x256xf32, #tpu.memory_space<vmem>>, vector<1x16xf32>,
      %get3A_308 = vector.shape_cast %get3A_307 : vector<1x16xf32> to vector<16xf32>
      %mul3A_309 = arith.mulf %get3A_304, %get3A_308 : vector<16xf32>
      %add3A_310 = arith.addf %add3A_300, %mul3A_309 : vector<16xf32>
      %get3A_311 = arith.index_cast %add3A_281 : i32 to index
      %get3A_312 = arith.constant 48 : index
      %get3A_313 = tpu.vector_load %arg9[%get3A_311, %get3A_312] {strides = array<i32>} : memref<128x256xf32, #tpu.memory_space<vmem>>, vector<1x16xf32>,
      %get3A_314 = vector.shape_cast %get3A_313 : vector<1x16xf32> to vector<16xf32>
      %get3A_315 = arith.index_cast %add3A_281 : i32 to index
      %get3A_316 = arith.constant 48 : index
      %get3A_317 = tpu.vector_load %arg8[%get3A_315, %get3A_316] {strides = array<i32>} : memref<128x256xf32, #tpu.memory_space<vmem>>, vector<1x16xf32>,
      %get3A_318 = vector.shape_cast %get3A_317 : vector<1x16xf32> to vector<16xf32>
      %mul3A_319 = arith.mulf %get3A_314, %get3A_318 : vector<16xf32>
      %add3A_320 = arith.addf %add3A_310, %mul3A_319 : vector<16xf32>
      %get3A_321 = arith.index_cast %add3A_281 : i32 to index
      %get3A_322 = arith.constant 64 : index
      %get3A_323 = tpu.vector_load %arg9[%get3A_321, %get3A_322] {strides = array<i32>} : memref<128x256xf32, #tpu.memory_space<vmem>>, vector<1x16xf32>,
      %get3A_324 = vector.shape_cast %get3A_323 : vector<1x16xf32> to vector<16xf32>
      %get3A_325 = arith.index_cast %add3A_281 : i32 to index
      %get3A_326 = arith.constant 64 : index
      %get3A_327 = tpu.vector_load %arg8[%get3A_325, %get3A_326] {strides = array<i32>} : memref<128x256xf32, #tpu.memory_space<vmem>>, vector<1x16xf32>,
      %get3A_328 = vector.shape_cast %get3A_327 : vector<1x16xf32> to vector<16xf32>
      %mul3A_329 = arith.mulf %get3A_324, %get3A_328 : vector<16xf32>
      %add3A_330 = arith.addf %add3A_320, %mul3A_329 : vector<16xf32>
      %get3A_331 = arith.index_cast %add3A_281 : i32 to index
      %get3A_332 = arith.constant 80 : index
      %get3A_333 = tpu.vector_load %arg9[%get3A_331, %get3A_332] {strides = array<i32>} : memref<128x256xf32, #tpu.memory_space<vmem>>, vector<1x16xf32>,
      %get3A_334 = vector.shape_cast %get3A_333 : vector<1x16xf32> to vector<16xf32>
      %get3A_335 = arith.index_cast %add3A_281 : i32 to index
      %get3A_336 = arith.constant 80 : index
      %get3A_337 = tpu.vector_load %arg8[%get3A_335, %get3A_336] {strides = array<i32>} : memref<128x256xf32, #tpu.memory_space<vmem>>, vector<1x16xf32>,
      %get3A_338 = vector.shape_cast %get3A_337 : vector<1x16xf32> to vector<16xf32>
      %mul3A_339 = arith.mulf %get3A_334, %get3A_338 : vector<16xf32>
      %add3A_340 = arith.addf %add3A_330, %mul3A_339 : vector<16xf32>
      %get3A_341 = arith.index_cast %add3A_281 : i32 to index
      %get3A_342 = arith.constant 96 : index
      %get3A_343 = tpu.vector_load %arg9[%get3A_341, %get3A_342] {strides = array<i32>} : memref<128x256xf32, #tpu.memory_space<vmem>>, vector<1x16xf32>,
      %get3A_344 = vector.shape_cast %get3A_343 : vector<1x16xf32> to vector<16xf32>
      %get3A_345 = arith.index_cast %add3A_281 : i32 to index
      %get3A_346 = arith.constant 96 : index
      %get3A_347 = tpu.vector_load %arg8[%get3A_345, %get3A_346] {strides = array<i32>} : memref<128x256xf32, #tpu.memory_space<vmem>>, vector<1x16xf32>,
      %get3A_348 = vector.shape_cast %get3A_347 : vector<1x16xf32> to vector<16xf32>
      %mul3A_349 = arith.mulf %get3A_344, %get3A_348 : vector<16xf32>
      %add3A_350 = arith.addf %add3A_340, %mul3A_349 : vector<16xf32>
      %get3A_351 = arith.index_cast %add3A_281 : i32 to index
      %get3A_352 = arith.constant 112 : index
      %get3A_353 = tpu.vector_load %arg9[%get3A_351, %get3A_352] {strides = array<i32>} : memref<128x256xf32, #tpu.memory_space<vmem>>, vector<1x16xf32>,
      %get3A_354 = vector.shape_cast %get3A_353 : vector<1x16xf32> to vector<16xf32>
      %get3A_355 = arith.index_cast %add3A_281 : i32 to index
      %get3A_356 = arith.constant 112 : index
      %get3A_357 = tpu.vector_load %arg8[%get3A_355, %get3A_356] {strides = array<i32>} : memref<128x256xf32, #tpu.memory_space<vmem>>, vector<1x16xf32>,
      %get3A_358 = vector.shape_cast %get3A_357 : vector<1x16xf32> to vector<16xf32>
      %mul3A_359 = arith.mulf %get3A_354, %get3A_358 : vector<16xf32>
      %add3A_360 = arith.addf %add3A_350, %mul3A_359 : vector<16xf32>
      %get3A_361 = arith.index_cast %add3A_281 : i32 to index
      %get3A_362 = arith.constant 128 : index
      %get3A_363 = tpu.vector_load %arg9[%get3A_361, %get3A_362] {strides = array<i32>} : memref<128x256xf32, #tpu.memory_space<vmem>>, vector<1x16xf32>,
      %get3A_364 = vector.shape_cast %get3A_363 : vector<1x16xf32> to vector<16xf32>
      %get3A_365 = arith.index_cast %add3A_281 : i32 to index
      %get3A_366 = arith.constant 128 : index
      %get3A_367 = tpu.vector_load %arg8[%get3A_365, %get3A_366] {strides = array<i32>} : memref<128x256xf32, #tpu.memory_space<vmem>>, vector<1x16xf32>,
      %get3A_368 = vector.shape_cast %get3A_367 : vector<1x16xf32> to vector<16xf32>
      %mul3A_369 = arith.mulf %get3A_364, %get3A_368 : vector<16xf32>
      %add3A_370 = arith.addf %add3A_360, %mul3A_369 : vector<16xf32>
      %get3A_371 = arith.index_cast %add3A_281 : i32 to index
      %get3A_372 = arith.constant 144 : index
      %get3A_373 = tpu.vector_load %arg9[%get3A_371, %get3A_372] {strides = array<i32>} : memref<128x256xf32, #tpu.memory_space<vmem>>, vector<1x16xf32>,
      %get3A_374 = vector.shape_cast %get3A_373 : vector<1x16xf32> to vector<16xf32>
      %get3A_375 = arith.index_cast %add3A_281 : i32 to index
      %get3A_376 = arith.constant 144 : index
      %get3A_377 = tpu.vector_load %arg8[%get3A_375, %get3A_376] {strides = array<i32>} : memref<128x256xf32, #tpu.memory_space<vmem>>, vector<1x16xf32>,
      %get3A_378 = vector.shape_cast %get3A_377 : vector<1x16xf32> to vector<16xf32>
      %mul3A_379 = arith.mulf %get3A_374, %get3A_378 : vector<16xf32>
      %add3A_380 = arith.addf %add3A_370, %mul3A_379 : vector<16xf32>
      %get3A_381 = arith.index_cast %add3A_281 : i32 to index
      %get3A_382 = arith.constant 160 : index
      %get3A_383 = tpu.vector_load %arg9[%get3A_381, %get3A_382] {strides = array<i32>} : memref<128x256xf32, #tpu.memory_space<vmem>>, vector<1x16xf32>,
      %get3A_384 = vector.shape_cast %get3A_383 : vector<1x16xf32> to vector<16xf32>
      %get3A_385 = arith.index_cast %add3A_281 : i32 to index
      %get3A_386 = arith.constant 160 : index
      %get3A_387 = tpu.vector_load %arg8[%get3A_385, %get3A_386] {strides = array<i32>} : memref<128x256xf32, #tpu.memory_space<vmem>>, vector<1x16xf32>,
      %get3A_388 = vector.shape_cast %get3A_387 : vector<1x16xf32> to vector<16xf32>
      %mul3A_389 = arith.mulf %get3A_384, %get3A_388 : vector<16xf32>
      %add3A_390 = arith.addf %add3A_380, %mul3A_389 : vector<16xf32>
      %get3A_391 = arith.index_cast %add3A_281 : i32 to index
      %get3A_392 = arith.constant 176 : index
      %get3A_393 = tpu.vector_load %arg9[%get3A_391, %get3A_392] {strides = array<i32>} : memref<128x256xf32, #tpu.memory_space<vmem>>, vector<1x16xf32>,
      %get3A_394 = vector.shape_cast %get3A_393 : vector<1x16xf32> to vector<16xf32>
      %get3A_395 = arith.index_cast %add3A_281 : i32 to index
      %get3A_396 = arith.constant 176 : index
      %get3A_397 = tpu.vector_load %arg8[%get3A_395, %get3A_396] {strides = array<i32>} : memref<128x256xf32, #tpu.memory_space<vmem>>, vector<1x16xf32>,
      %get3A_398 = vector.shape_cast %get3A_397 : vector<1x16xf32> to vector<16xf32>
      %mul3A_399 = arith.mulf %get3A_394, %get3A_398 : vector<16xf32>
      %add3A_400 = arith.addf %add3A_390, %mul3A_399 : vector<16xf32>
      %get3A_401 = arith.index_cast %add3A_281 : i32 to index
      %get3A_402 = arith.constant 192 : index
      %get3A_403 = tpu.vector_load %arg9[%get3A_401, %get3A_402] {strides = array<i32>} : memref<128x256xf32, #tpu.memory_space<vmem>>, vector<1x16xf32>,
      %get3A_404 = vector.shape_cast %get3A_403 : vector<1x16xf32> to vector<16xf32>
      %get3A_405 = arith.index_cast %add3A_281 : i32 to index
      %get3A_406 = arith.constant 192 : index
      %get3A_407 = tpu.vector_load %arg8[%get3A_405, %get3A_406] {strides = array<i32>} : memref<128x256xf32, #tpu.memory_space<vmem>>, vector<1x16xf32>,
      %get3A_408 = vector.shape_cast %get3A_407 : vector<1x16xf32> to vector<16xf32>
      %mul3A_409 = arith.mulf %get3A_404, %get3A_408 : vector<16xf32>
      %add3A_410 = arith.addf %add3A_400, %mul3A_409 : vector<16xf32>
      %get3A_411 = arith.index_cast %add3A_281 : i32 to index
      %get3A_412 = arith.constant 208 : index
      %get3A_413 = tpu.vector_load %arg9[%get3A_411, %get3A_412] {strides = array<i32>} : memref<128x256xf32, #tpu.memory_space<vmem>>, vector<1x16xf32>,
      %get3A_414 = vector.shape_cast %get3A_413 : vector<1x16xf32> to vector<16xf32>
      %get3A_415 = arith.index_cast %add3A_281 : i32 to index
      %get3A_416 = arith.constant 208 : index
      %get3A_417 = tpu.vector_load %arg8[%get3A_415, %get3A_416] {strides = array<i32>} : memref<128x256xf32, #tpu.memory_space<vmem>>, vector<1x16xf32>,
      %get3A_418 = vector.shape_cast %get3A_417 : vector<1x16xf32> to vector<16xf32>
      %mul3A_419 = arith.mulf %get3A_414, %get3A_418 : vector<16xf32>
      %add3A_420 = arith.addf %add3A_410, %mul3A_419 : vector<16xf32>
      %get3A_421 = arith.index_cast %add3A_281 : i32 to index
      %get3A_422 = arith.constant 224 : index
      %get3A_423 = tpu.vector_load %arg9[%get3A_421, %get3A_422] {strides = array<i32>} : memref<128x256xf32, #tpu.memory_space<vmem>>, vector<1x16xf32>,
      %get3A_424 = vector.shape_cast %get3A_423 : vector<1x16xf32> to vector<16xf32>
      %get3A_425 = arith.index_cast %add3A_281 : i32 to index
      %get3A_426 = arith.constant 224 : index
      %get3A_427 = tpu.vector_load %arg8[%get3A_425, %get3A_426] {strides = array<i32>} : memref<128x256xf32, #tpu.memory_space<vmem>>, vector<1x16xf32>,
      %get3A_428 = vector.shape_cast %get3A_427 : vector<1x16xf32> to vector<16xf32>
      %mul3A_429 = arith.mulf %get3A_424, %get3A_428 : vector<16xf32>
      %add3A_430 = arith.addf %add3A_420, %mul3A_429 : vector<16xf32>
      %get3A_431 = arith.index_cast %add3A_281 : i32 to index
      %get3A_432 = arith.constant 240 : index
      %get3A_433 = tpu.vector_load %arg9[%get3A_431, %get3A_432] {strides = array<i32>} : memref<128x256xf32, #tpu.memory_space<vmem>>, vector<1x16xf32>,
      %get3A_434 = vector.shape_cast %get3A_433 : vector<1x16xf32> to vector<16xf32>
      %get3A_435 = arith.index_cast %add3A_281 : i32 to index
      %get3A_436 = arith.constant 240 : index
      %get3A_437 = tpu.vector_load %arg8[%get3A_435, %get3A_436] {strides = array<i32>} : memref<128x256xf32, #tpu.memory_space<vmem>>, vector<1x16xf32>,
      %get3A_438 = vector.shape_cast %get3A_437 : vector<1x16xf32> to vector<16xf32>
      %mul3A_439 = arith.mulf %get3A_434, %get3A_438 : vector<16xf32>
      %add3A_440 = arith.addf %add3A_430, %mul3A_439 : vector<16xf32>
      %mul3A_441 = arith.constant 16 : i32
      %mul3A_442 = arith.muli %add3A_281, %mul3A_441 : i32
      %swap3A_443 = arith.index_cast %mul3A_442 : i32 to index
      %swap3A_444 = tpu.vector_load %arg10[%swap3A_443] {strides = array<i32>} : memref<2048xf32, #tpu.memory_space<vmem>>, vector<16xf32>,
      %swap3A_445 = vector.shape_cast %swap3A_444 : vector<16xf32> to vector<16xf32>
      %swap3A_446 = vector.shape_cast %add3A_440 : vector<16xf32> to vector<16xf32>
      tpu.vector_store %arg10[%swap3A_443], %swap3A_446 {strides = array<i32>} : memref<2048xf32, #tpu.memory_space<vmem>>, vector<16xf32>,
    }
    %scan3A_89 = arith.constant 64 : i32
    %dma_start3A_90 = arith.constant 0 : i32
    %dma_start3A_91 = arith.constant 0 : i32
    %dma_start3A_92 = tpu.memref_slice %arg4[%dma_start3A_90, %dma_start3A_91] : memref<16384x256xf32, #tpu.memory_space<hbm>> -> memref<16384x256xf32, #tpu.memory_space<hbm>>
    tpu.enqueue_indirect_dma source(%dma_start3A_92 : memref<16384x256xf32, #tpu.memory_space<hbm>>) target(%arg8 : memref<128x256xf32, #tpu.memory_space<vmem>>) offsets(%arg7 : memref<128xi32, #tpu.memory_space<vmem>>) semaphore(%arg12 : memref<!tpu.dma_semaphore, #tpu.memory_space<semaphore_mem>>)
    %dma_wait3A_93 = arith.constant 0 : i32
    %dma_wait3A_94 = arith.constant 0 : i32
    %dma_wait3A_95 = tpu.memref_slice %arg4[%dma_wait3A_93, %dma_wait3A_94] : memref<16384x256xf32, #tpu.memory_space<hbm>> -> memref<16384x256xf32, #tpu.memory_space<hbm>>
    tpu.wait_indirect_dma semaphore(%arg12 : memref<!tpu.dma_semaphore, #tpu.memory_space<semaphore_mem>>) src(%dma_wait3A_95 : memref<16384x256xf32, #tpu.memory_space<hbm>>) dst(%arg8 : memref<128x256xf32, #tpu.memory_space<vmem>>)
    %scan3A_96 = arith.constant 0 : i32
    %scan3A_97 = arith.constant 0 : i32
    %scan3A_98 = arith.constant 64 : i32
    %scan3A_99 = arith.addi %scan3A_97, %scan3A_98 : i32
    %scan3A_100 = arith.constant 1 : i32
    scf.for %scan3A_108 = %scan3A_97 to %scan3A_99 step %scan3A_100  : i32 {
      %mul3A_109 = arith.constant 2 : i32
      %mul3A_110 = arith.muli %scan3A_108, %mul3A_109 : i32
      %add3A_111 = arith.constant 0 : i32
      %add3A_112 = arith.addi %mul3A_110, %add3A_111 : i32
      %get3A_113 = arith.index_cast %add3A_112 : i32 to index
      %get3A_114 = arith.constant 0 : index
      %get3A_115 = tpu.vector_load %arg9[%get3A_113, %get3A_114] {strides = array<i32>} : memref<128x256xf32, #tpu.memory_space<vmem>>, vector<1x16xf32>,
      %get3A_116 = vector.shape_cast %get3A_115 : vector<1x16xf32> to vector<16xf32>
      %get3A_117 = arith.index_cast %add3A_112 : i32 to index
      %get3A_118 = arith.constant 0 : index
      %get3A_119 = tpu.vector_load %arg8[%get3A_117, %get3A_118] {strides = array<i32>} : memref<128x256xf32, #tpu.memory_space<vmem>>, vector<1x16xf32>,
      %get3A_120 = vector.shape_cast %get3A_119 : vector<1x16xf32> to vector<16xf32>
      %mul3A_121 = arith.mulf %get3A_116, %get3A_120 : vector<16xf32>
      %get3A_122 = arith.index_cast %add3A_112 : i32 to index
      %get3A_123 = arith.constant 16 : index
      %get3A_124 = tpu.vector_load %arg9[%get3A_122, %get3A_123] {strides = array<i32>} : memref<128x256xf32, #tpu.memory_space<vmem>>, vector<1x16xf32>,
      %get3A_125 = vector.shape_cast %get3A_124 : vector<1x16xf32> to vector<16xf32>
      %get3A_126 = arith.index_cast %add3A_112 : i32 to index
      %get3A_127 = arith.constant 16 : index
      %get3A_128 = tpu.vector_load %arg8[%get3A_126, %get3A_127] {strides = array<i32>} : memref<128x256xf32, #tpu.memory_space<vmem>>, vector<1x16xf32>,
      %get3A_129 = vector.shape_cast %get3A_128 : vector<1x16xf32> to vector<16xf32>
      %mul3A_130 = arith.mulf %get3A_125, %get3A_129 : vector<16xf32>
      %add3A_131 = arith.addf %mul3A_121, %mul3A_130 : vector<16xf32>
      %get3A_132 = arith.index_cast %add3A_112 : i32 to index
      %get3A_133 = arith.constant 32 : index
      %get3A_134 = tpu.vector_load %arg9[%get3A_132, %get3A_133] {strides = array<i32>} : memref<128x256xf32, #tpu.memory_space<vmem>>, vector<1x16xf32>,
      %get3A_135 = vector.shape_cast %get3A_134 : vector<1x16xf32> to vector<16xf32>
      %get3A_136 = arith.index_cast %add3A_112 : i32 to index
      %get3A_137 = arith.constant 32 : index
      %get3A_138 = tpu.vector_load %arg8[%get3A_136, %get3A_137] {strides = array<i32>} : memref<128x256xf32, #tpu.memory_space<vmem>>, vector<1x16xf32>,
      %get3A_139 = vector.shape_cast %get3A_138 : vector<1x16xf32> to vector<16xf32>
      %mul3A_140 = arith.mulf %get3A_135, %get3A_139 : vector<16xf32>
      %add3A_141 = arith.addf %add3A_131, %mul3A_140 : vector<16xf32>
      %get3A_142 = arith.index_cast %add3A_112 : i32 to index
      %get3A_143 = arith.constant 48 : index
      %get3A_144 = tpu.vector_load %arg9[%get3A_142, %get3A_143] {strides = array<i32>} : memref<128x256xf32, #tpu.memory_space<vmem>>, vector<1x16xf32>,
      %get3A_145 = vector.shape_cast %get3A_144 : vector<1x16xf32> to vector<16xf32>
      %get3A_146 = arith.index_cast %add3A_112 : i32 to index
      %get3A_147 = arith.constant 48 : index
      %get3A_148 = tpu.vector_load %arg8[%get3A_146, %get3A_147] {strides = array<i32>} : memref<128x256xf32, #tpu.memory_space<vmem>>, vector<1x16xf32>,
      %get3A_149 = vector.shape_cast %get3A_148 : vector<1x16xf32> to vector<16xf32>
      %mul3A_150 = arith.mulf %get3A_145, %get3A_149 : vector<16xf32>
      %add3A_151 = arith.addf %add3A_141, %mul3A_150 : vector<16xf32>
      %get3A_152 = arith.index_cast %add3A_112 : i32 to index
      %get3A_153 = arith.constant 64 : index
      %get3A_154 = tpu.vector_load %arg9[%get3A_152, %get3A_153] {strides = array<i32>} : memref<128x256xf32, #tpu.memory_space<vmem>>, vector<1x16xf32>,
      %get3A_155 = vector.shape_cast %get3A_154 : vector<1x16xf32> to vector<16xf32>
      %get3A_156 = arith.index_cast %add3A_112 : i32 to index
      %get3A_157 = arith.constant 64 : index
      %get3A_158 = tpu.vector_load %arg8[%get3A_156, %get3A_157] {strides = array<i32>} : memref<128x256xf32, #tpu.memory_space<vmem>>, vector<1x16xf32>,
      %get3A_159 = vector.shape_cast %get3A_158 : vector<1x16xf32> to vector<16xf32>
      %mul3A_160 = arith.mulf %get3A_155, %get3A_159 : vector<16xf32>
      %add3A_161 = arith.addf %add3A_151, %mul3A_160 : vector<16xf32>
      %get3A_162 = arith.index_cast %add3A_112 : i32 to index
      %get3A_163 = arith.constant 80 : index
      %get3A_164 = tpu.vector_load %arg9[%get3A_162, %get3A_163] {strides = array<i32>} : memref<128x256xf32, #tpu.memory_space<vmem>>, vector<1x16xf32>,
      %get3A_165 = vector.shape_cast %get3A_164 : vector<1x16xf32> to vector<16xf32>
      %get3A_166 = arith.index_cast %add3A_112 : i32 to index
      %get3A_167 = arith.constant 80 : index
      %get3A_168 = tpu.vector_load %arg8[%get3A_166, %get3A_167] {strides = array<i32>} : memref<128x256xf32, #tpu.memory_space<vmem>>, vector<1x16xf32>,
      %get3A_169 = vector.shape_cast %get3A_168 : vector<1x16xf32> to vector<16xf32>
      %mul3A_170 = arith.mulf %get3A_165, %get3A_169 : vector<16xf32>
      %add3A_171 = arith.addf %add3A_161, %mul3A_170 : vector<16xf32>
      %get3A_172 = arith.index_cast %add3A_112 : i32 to index
      %get3A_173 = arith.constant 96 : index
      %get3A_174 = tpu.vector_load %arg9[%get3A_172, %get3A_173] {strides = array<i32>} : memref<128x256xf32, #tpu.memory_space<vmem>>, vector<1x16xf32>,
      %get3A_175 = vector.shape_cast %get3A_174 : vector<1x16xf32> to vector<16xf32>
      %get3A_176 = arith.index_cast %add3A_112 : i32 to index
      %get3A_177 = arith.constant 96 : index
      %get3A_178 = tpu.vector_load %arg8[%get3A_176, %get3A_177] {strides = array<i32>} : memref<128x256xf32, #tpu.memory_space<vmem>>, vector<1x16xf32>,
      %get3A_179 = vector.shape_cast %get3A_178 : vector<1x16xf32> to vector<16xf32>
      %mul3A_180 = arith.mulf %get3A_175, %get3A_179 : vector<16xf32>
      %add3A_181 = arith.addf %add3A_171, %mul3A_180 : vector<16xf32>
      %get3A_182 = arith.index_cast %add3A_112 : i32 to index
      %get3A_183 = arith.constant 112 : index
      %get3A_184 = tpu.vector_load %arg9[%get3A_182, %get3A_183] {strides = array<i32>} : memref<128x256xf32, #tpu.memory_space<vmem>>, vector<1x16xf32>,
      %get3A_185 = vector.shape_cast %get3A_184 : vector<1x16xf32> to vector<16xf32>
      %get3A_186 = arith.index_cast %add3A_112 : i32 to index
      %get3A_187 = arith.constant 112 : index
      %get3A_188 = tpu.vector_load %arg8[%get3A_186, %get3A_187] {strides = array<i32>} : memref<128x256xf32, #tpu.memory_space<vmem>>, vector<1x16xf32>,
      %get3A_189 = vector.shape_cast %get3A_188 : vector<1x16xf32> to vector<16xf32>
      %mul3A_190 = arith.mulf %get3A_185, %get3A_189 : vector<16xf32>
      %add3A_191 = arith.addf %add3A_181, %mul3A_190 : vector<16xf32>
      %get3A_192 = arith.index_cast %add3A_112 : i32 to index
      %get3A_193 = arith.constant 128 : index
      %get3A_194 = tpu.vector_load %arg9[%get3A_192, %get3A_193] {strides = array<i32>} : memref<128x256xf32, #tpu.memory_space<vmem>>, vector<1x16xf32>,
      %get3A_195 = vector.shape_cast %get3A_194 : vector<1x16xf32> to vector<16xf32>
      %get3A_196 = arith.index_cast %add3A_112 : i32 to index
      %get3A_197 = arith.constant 128 : index
      %get3A_198 = tpu.vector_load %arg8[%get3A_196, %get3A_197] {strides = array<i32>} : memref<128x256xf32, #tpu.memory_space<vmem>>, vector<1x16xf32>,
      %get3A_199 = vector.shape_cast %get3A_198 : vector<1x16xf32> to vector<16xf32>
      %mul3A_200 = arith.mulf %get3A_195, %get3A_199 : vector<16xf32>
      %add3A_201 = arith.addf %add3A_191, %mul3A_200 : vector<16xf32>
      %get3A_202 = arith.index_cast %add3A_112 : i32 to index
      %get3A_203 = arith.constant 144 : index
      %get3A_204 = tpu.vector_load %arg9[%get3A_202, %get3A_203] {strides = array<i32>} : memref<128x256xf32, #tpu.memory_space<vmem>>, vector<1x16xf32>,
      %get3A_205 = vector.shape_cast %get3A_204 : vector<1x16xf32> to vector<16xf32>
      %get3A_206 = arith.index_cast %add3A_112 : i32 to index
      %get3A_207 = arith.constant 144 : index
      %get3A_208 = tpu.vector_load %arg8[%get3A_206, %get3A_207] {strides = array<i32>} : memref<128x256xf32, #tpu.memory_space<vmem>>, vector<1x16xf32>,
      %get3A_209 = vector.shape_cast %get3A_208 : vector<1x16xf32> to vector<16xf32>
      %mul3A_210 = arith.mulf %get3A_205, %get3A_209 : vector<16xf32>
      %add3A_211 = arith.addf %add3A_201, %mul3A_210 : vector<16xf32>
      %get3A_212 = arith.index_cast %add3A_112 : i32 to index
      %get3A_213 = arith.constant 160 : index
      %get3A_214 = tpu.vector_load %arg9[%get3A_212, %get3A_213] {strides = array<i32>} : memref<128x256xf32, #tpu.memory_space<vmem>>, vector<1x16xf32>,
      %get3A_215 = vector.shape_cast %get3A_214 : vector<1x16xf32> to vector<16xf32>
      %get3A_216 = arith.index_cast %add3A_112 : i32 to index
      %get3A_217 = arith.constant 160 : index
      %get3A_218 = tpu.vector_load %arg8[%get3A_216, %get3A_217] {strides = array<i32>} : memref<128x256xf32, #tpu.memory_space<vmem>>, vector<1x16xf32>,
      %get3A_219 = vector.shape_cast %get3A_218 : vector<1x16xf32> to vector<16xf32>
      %mul3A_220 = arith.mulf %get3A_215, %get3A_219 : vector<16xf32>
      %add3A_221 = arith.addf %add3A_211, %mul3A_220 : vector<16xf32>
      %get3A_222 = arith.index_cast %add3A_112 : i32 to index
      %get3A_223 = arith.constant 176 : index
      %get3A_224 = tpu.vector_load %arg9[%get3A_222, %get3A_223] {strides = array<i32>} : memref<128x256xf32, #tpu.memory_space<vmem>>, vector<1x16xf32>,
      %get3A_225 = vector.shape_cast %get3A_224 : vector<1x16xf32> to vector<16xf32>
      %get3A_226 = arith.index_cast %add3A_112 : i32 to index
      %get3A_227 = arith.constant 176 : index
      %get3A_228 = tpu.vector_load %arg8[%get3A_226, %get3A_227] {strides = array<i32>} : memref<128x256xf32, #tpu.memory_space<vmem>>, vector<1x16xf32>,
      %get3A_229 = vector.shape_cast %get3A_228 : vector<1x16xf32> to vector<16xf32>
      %mul3A_230 = arith.mulf %get3A_225, %get3A_229 : vector<16xf32>
      %add3A_231 = arith.addf %add3A_221, %mul3A_230 : vector<16xf32>
      %get3A_232 = arith.index_cast %add3A_112 : i32 to index
      %get3A_233 = arith.constant 192 : index
      %get3A_234 = tpu.vector_load %arg9[%get3A_232, %get3A_233] {strides = array<i32>} : memref<128x256xf32, #tpu.memory_space<vmem>>, vector<1x16xf32>,
      %get3A_235 = vector.shape_cast %get3A_234 : vector<1x16xf32> to vector<16xf32>
      %get3A_236 = arith.index_cast %add3A_112 : i32 to index
      %get3A_237 = arith.constant 192 : index
      %get3A_238 = tpu.vector_load %arg8[%get3A_236, %get3A_237] {strides = array<i32>} : memref<128x256xf32, #tpu.memory_space<vmem>>, vector<1x16xf32>,
      %get3A_239 = vector.shape_cast %get3A_238 : vector<1x16xf32> to vector<16xf32>
      %mul3A_240 = arith.mulf %get3A_235, %get3A_239 : vector<16xf32>
      %add3A_241 = arith.addf %add3A_231, %mul3A_240 : vector<16xf32>
      %get3A_242 = arith.index_cast %add3A_112 : i32 to index
      %get3A_243 = arith.constant 208 : index
      %get3A_244 = tpu.vector_load %arg9[%get3A_242, %get3A_243] {strides = array<i32>} : memref<128x256xf32, #tpu.memory_space<vmem>>, vector<1x16xf32>,
      %get3A_245 = vector.shape_cast %get3A_244 : vector<1x16xf32> to vector<16xf32>
      %get3A_246 = arith.index_cast %add3A_112 : i32 to index
      %get3A_247 = arith.constant 208 : index
      %get3A_248 = tpu.vector_load %arg8[%get3A_246, %get3A_247] {strides = array<i32>} : memref<128x256xf32, #tpu.memory_space<vmem>>, vector<1x16xf32>,
      %get3A_249 = vector.shape_cast %get3A_248 : vector<1x16xf32> to vector<16xf32>
      %mul3A_250 = arith.mulf %get3A_245, %get3A_249 : vector<16xf32>
      %add3A_251 = arith.addf %add3A_241, %mul3A_250 : vector<16xf32>
      %get3A_252 = arith.index_cast %add3A_112 : i32 to index
      %get3A_253 = arith.constant 224 : index
      %get3A_254 = tpu.vector_load %arg9[%get3A_252, %get3A_253] {strides = array<i32>} : memref<128x256xf32, #tpu.memory_space<vmem>>, vector<1x16xf32>,
      %get3A_255 = vector.shape_cast %get3A_254 : vector<1x16xf32> to vector<16xf32>
      %get3A_256 = arith.index_cast %add3A_112 : i32 to index
      %get3A_257 = arith.constant 224 : index
      %get3A_258 = tpu.vector_load %arg8[%get3A_256, %get3A_257] {strides = array<i32>} : memref<128x256xf32, #tpu.memory_space<vmem>>, vector<1x16xf32>,
      %get3A_259 = vector.shape_cast %get3A_258 : vector<1x16xf32> to vector<16xf32>
      %mul3A_260 = arith.mulf %get3A_255, %get3A_259 : vector<16xf32>
      %add3A_261 = arith.addf %add3A_251, %mul3A_260 : vector<16xf32>
      %get3A_262 = arith.index_cast %add3A_112 : i32 to index
      %get3A_263 = arith.constant 240 : index
      %get3A_264 = tpu.vector_load %arg9[%get3A_262, %get3A_263] {strides = array<i32>} : memref<128x256xf32, #tpu.memory_space<vmem>>, vector<1x16xf32>,
      %get3A_265 = vector.shape_cast %get3A_264 : vector<1x16xf32> to vector<16xf32>
      %get3A_266 = arith.index_cast %add3A_112 : i32 to index
      %get3A_267 = arith.constant 240 : index
      %get3A_268 = tpu.vector_load %arg8[%get3A_266, %get3A_267] {strides = array<i32>} : memref<128x256xf32, #tpu.memory_space<vmem>>, vector<1x16xf32>,
      %get3A_269 = vector.shape_cast %get3A_268 : vector<1x16xf32> to vector<16xf32>
      %mul3A_270 = arith.mulf %get3A_265, %get3A_269 : vector<16xf32>
      %add3A_271 = arith.addf %add3A_261, %mul3A_270 : vector<16xf32>
      %mul3A_272 = arith.constant 16 : i32
      %mul3A_273 = arith.muli %add3A_112, %mul3A_272 : i32
      %swap3A_274 = arith.index_cast %mul3A_273 : i32 to index
      %swap3A_275 = tpu.vector_load %arg11[%swap3A_274] {strides = array<i32>} : memref<2048xf32, #tpu.memory_space<vmem>>, vector<16xf32>,
      %swap3A_276 = vector.shape_cast %swap3A_275 : vector<16xf32> to vector<16xf32>
      %swap3A_277 = vector.shape_cast %add3A_271 : vector<16xf32> to vector<16xf32>
      tpu.vector_store %arg11[%swap3A_274], %swap3A_277 {strides = array<i32>} : memref<2048xf32, #tpu.memory_space<vmem>>, vector<16xf32>,
      %mul3A_278 = arith.constant 2 : i32
      %mul3A_279 = arith.muli %scan3A_108, %mul3A_278 : i32
      %add3A_280 = arith.constant 1 : i32
      %add3A_281 = arith.addi %mul3A_279, %add3A_280 : i32
      %get3A_282 = arith.index_cast %add3A_281 : i32 to index
      %get3A_283 = arith.constant 0 : index
      %get3A_284 = tpu.vector_load %arg9[%get3A_282, %get3A_283] {strides = array<i32>} : memref<128x256xf32, #tpu.memory_space<vmem>>, vector<1x16xf32>,
      %get3A_285 = vector.shape_cast %get3A_284 : vector<1x16xf32> to vector<16xf32>
      %get3A_286 = arith.index_cast %add3A_281 : i32 to index
      %get3A_287 = arith.constant 0 : index
      %get3A_288 = tpu.vector_load %arg8[%get3A_286, %get3A_287] {strides = array<i32>} : memref<128x256xf32, #tpu.memory_space<vmem>>, vector<1x16xf32>,
      %get3A_289 = vector.shape_cast %get3A_288 : vector<1x16xf32> to vector<16xf32>
      %mul3A_290 = arith.mulf %get3A_285, %get3A_289 : vector<16xf32>
      %get3A_291 = arith.index_cast %add3A_281 : i32 to index
      %get3A_292 = arith.constant 16 : index
      %get3A_293 = tpu.vector_load %arg9[%get3A_291, %get3A_292] {strides = array<i32>} : memref<128x256xf32, #tpu.memory_space<vmem>>, vector<1x16xf32>,
      %get3A_294 = vector.shape_cast %get3A_293 : vector<1x16xf32> to vector<16xf32>
      %get3A_295 = arith.index_cast %add3A_281 : i32 to index
      %get3A_296 = arith.constant 16 : index
      %get3A_297 = tpu.vector_load %arg8[%get3A_295, %get3A_296] {strides = array<i32>} : memref<128x256xf32, #tpu.memory_space<vmem>>, vector<1x16xf32>,
      %get3A_298 = vector.shape_cast %get3A_297 : vector<1x16xf32> to vector<16xf32>
      %mul3A_299 = arith.mulf %get3A_294, %get3A_298 : vector<16xf32>
      %add3A_300 = arith.addf %mul3A_290, %mul3A_299 : vector<16xf32>
      %get3A_301 = arith.index_cast %add3A_281 : i32 to index
      %get3A_302 = arith.constant 32 : index
      %get3A_303 = tpu.vector_load %arg9[%get3A_301, %get3A_302] {strides = array<i32>} : memref<128x256xf32, #tpu.memory_space<vmem>>, vector<1x16xf32>,
      %get3A_304 = vector.shape_cast %get3A_303 : vector<1x16xf32> to vector<16xf32>
      %get3A_305 = arith.index_cast %add3A_281 : i32 to index
      %get3A_306 = arith.constant 32 : index
      %get3A_307 = tpu.vector_load %arg8[%get3A_305, %get3A_306] {strides = array<i32>} : memref<128x256xf32, #tpu.memory_space<vmem>>, vector<1x16xf32>,
      %get3A_308 = vector.shape_cast %get3A_307 : vector<1x16xf32> to vector<16xf32>
      %mul3A_309 = arith.mulf %get3A_304, %get3A_308 : vector<16xf32>
      %add3A_310 = arith.addf %add3A_300, %mul3A_309 : vector<16xf32>
      %get3A_311 = arith.index_cast %add3A_281 : i32 to index
      %get3A_312 = arith.constant 48 : index
      %get3A_313 = tpu.vector_load %arg9[%get3A_311, %get3A_312] {strides = array<i32>} : memref<128x256xf32, #tpu.memory_space<vmem>>, vector<1x16xf32>,
      %get3A_314 = vector.shape_cast %get3A_313 : vector<1x16xf32> to vector<16xf32>
      %get3A_315 = arith.index_cast %add3A_281 : i32 to index
      %get3A_316 = arith.constant 48 : index
      %get3A_317 = tpu.vector_load %arg8[%get3A_315, %get3A_316] {strides = array<i32>} : memref<128x256xf32, #tpu.memory_space<vmem>>, vector<1x16xf32>,
      %get3A_318 = vector.shape_cast %get3A_317 : vector<1x16xf32> to vector<16xf32>
      %mul3A_319 = arith.mulf %get3A_314, %get3A_318 : vector<16xf32>
      %add3A_320 = arith.addf %add3A_310, %mul3A_319 : vector<16xf32>
      %get3A_321 = arith.index_cast %add3A_281 : i32 to index
      %get3A_322 = arith.constant 64 : index
      %get3A_323 = tpu.vector_load %arg9[%get3A_321, %get3A_322] {strides = array<i32>} : memref<128x256xf32, #tpu.memory_space<vmem>>, vector<1x16xf32>,
      %get3A_324 = vector.shape_cast %get3A_323 : vector<1x16xf32> to vector<16xf32>
      %get3A_325 = arith.index_cast %add3A_281 : i32 to index
      %get3A_326 = arith.constant 64 : index
      %get3A_327 = tpu.vector_load %arg8[%get3A_325, %get3A_326] {strides = array<i32>} : memref<128x256xf32, #tpu.memory_space<vmem>>, vector<1x16xf32>,
      %get3A_328 = vector.shape_cast %get3A_327 : vector<1x16xf32> to vector<16xf32>
      %mul3A_329 = arith.mulf %get3A_324, %get3A_328 : vector<16xf32>
      %add3A_330 = arith.addf %add3A_320, %mul3A_329 : vector<16xf32>
      %get3A_331 = arith.index_cast %add3A_281 : i32 to index
      %get3A_332 = arith.constant 80 : index
      %get3A_333 = tpu.vector_load %arg9[%get3A_331, %get3A_332] {strides = array<i32>} : memref<128x256xf32, #tpu.memory_space<vmem>>, vector<1x16xf32>,
      %get3A_334 = vector.shape_cast %get3A_333 : vector<1x16xf32> to vector<16xf32>
      %get3A_335 = arith.index_cast %add3A_281 : i32 to index
      %get3A_336 = arith.constant 80 : index
      %get3A_337 = tpu.vector_load %arg8[%get3A_335, %get3A_336] {strides = array<i32>} : memref<128x256xf32, #tpu.memory_space<vmem>>, vector<1x16xf32>,
      %get3A_338 = vector.shape_cast %get3A_337 : vector<1x16xf32> to vector<16xf32>
      %mul3A_339 = arith.mulf %get3A_334, %get3A_338 : vector<16xf32>
      %add3A_340 = arith.addf %add3A_330, %mul3A_339 : vector<16xf32>
      %get3A_341 = arith.index_cast %add3A_281 : i32 to index
      %get3A_342 = arith.constant 96 : index
      %get3A_343 = tpu.vector_load %arg9[%get3A_341, %get3A_342] {strides = array<i32>} : memref<128x256xf32, #tpu.memory_space<vmem>>, vector<1x16xf32>,
      %get3A_344 = vector.shape_cast %get3A_343 : vector<1x16xf32> to vector<16xf32>
      %get3A_345 = arith.index_cast %add3A_281 : i32 to index
      %get3A_346 = arith.constant 96 : index
      %get3A_347 = tpu.vector_load %arg8[%get3A_345, %get3A_346] {strides = array<i32>} : memref<128x256xf32, #tpu.memory_space<vmem>>, vector<1x16xf32>,
      %get3A_348 = vector.shape_cast %get3A_347 : vector<1x16xf32> to vector<16xf32>
      %mul3A_349 = arith.mulf %get3A_344, %get3A_348 : vector<16xf32>
      %add3A_350 = arith.addf %add3A_340, %mul3A_349 : vector<16xf32>
      %get3A_351 = arith.index_cast %add3A_281 : i32 to index
      %get3A_352 = arith.constant 112 : index
      %get3A_353 = tpu.vector_load %arg9[%get3A_351, %get3A_352] {strides = array<i32>} : memref<128x256xf32, #tpu.memory_space<vmem>>, vector<1x16xf32>,
      %get3A_354 = vector.shape_cast %get3A_353 : vector<1x16xf32> to vector<16xf32>
      %get3A_355 = arith.index_cast %add3A_281 : i32 to index
      %get3A_356 = arith.constant 112 : index
      %get3A_357 = tpu.vector_load %arg8[%get3A_355, %get3A_356] {strides = array<i32>} : memref<128x256xf32, #tpu.memory_space<vmem>>, vector<1x16xf32>,
      %get3A_358 = vector.shape_cast %get3A_357 : vector<1x16xf32> to vector<16xf32>
      %mul3A_359 = arith.mulf %get3A_354, %get3A_358 : vector<16xf32>
      %add3A_360 = arith.addf %add3A_350, %mul3A_359 : vector<16xf32>
      %get3A_361 = arith.index_cast %add3A_281 : i32 to index
      %get3A_362 = arith.constant 128 : index
      %get3A_363 = tpu.vector_load %arg9[%get3A_361, %get3A_362] {strides = array<i32>} : memref<128x256xf32, #tpu.memory_space<vmem>>, vector<1x16xf32>,
      %get3A_364 = vector.shape_cast %get3A_363 : vector<1x16xf32> to vector<16xf32>
      %get3A_365 = arith.index_cast %add3A_281 : i32 to index
      %get3A_366 = arith.constant 128 : index
      %get3A_367 = tpu.vector_load %arg8[%get3A_365, %get3A_366] {strides = array<i32>} : memref<128x256xf32, #tpu.memory_space<vmem>>, vector<1x16xf32>,
      %get3A_368 = vector.shape_cast %get3A_367 : vector<1x16xf32> to vector<16xf32>
      %mul3A_369 = arith.mulf %get3A_364, %get3A_368 : vector<16xf32>
      %add3A_370 = arith.addf %add3A_360, %mul3A_369 : vector<16xf32>
      %get3A_371 = arith.index_cast %add3A_281 : i32 to index
      %get3A_372 = arith.constant 144 : index
      %get3A_373 = tpu.vector_load %arg9[%get3A_371, %get3A_372] {strides = array<i32>} : memref<128x256xf32, #tpu.memory_space<vmem>>, vector<1x16xf32>,
      %get3A_374 = vector.shape_cast %get3A_373 : vector<1x16xf32> to vector<16xf32>
      %get3A_375 = arith.index_cast %add3A_281 : i32 to index
      %get3A_376 = arith.constant 144 : index
      %get3A_377 = tpu.vector_load %arg8[%get3A_375, %get3A_376] {strides = array<i32>} : memref<128x256xf32, #tpu.memory_space<vmem>>, vector<1x16xf32>,
      %get3A_378 = vector.shape_cast %get3A_377 : vector<1x16xf32> to vector<16xf32>
      %mul3A_379 = arith.mulf %get3A_374, %get3A_378 : vector<16xf32>
      %add3A_380 = arith.addf %add3A_370, %mul3A_379 : vector<16xf32>
      %get3A_381 = arith.index_cast %add3A_281 : i32 to index
      %get3A_382 = arith.constant 160 : index
      %get3A_383 = tpu.vector_load %arg9[%get3A_381, %get3A_382] {strides = array<i32>} : memref<128x256xf32, #tpu.memory_space<vmem>>, vector<1x16xf32>,
      %get3A_384 = vector.shape_cast %get3A_383 : vector<1x16xf32> to vector<16xf32>
      %get3A_385 = arith.index_cast %add3A_281 : i32 to index
      %get3A_386 = arith.constant 160 : index
      %get3A_387 = tpu.vector_load %arg8[%get3A_385, %get3A_386] {strides = array<i32>} : memref<128x256xf32, #tpu.memory_space<vmem>>, vector<1x16xf32>,
      %get3A_388 = vector.shape_cast %get3A_387 : vector<1x16xf32> to vector<16xf32>
      %mul3A_389 = arith.mulf %get3A_384, %get3A_388 : vector<16xf32>
      %add3A_390 = arith.addf %add3A_380, %mul3A_389 : vector<16xf32>
      %get3A_391 = arith.index_cast %add3A_281 : i32 to index
      %get3A_392 = arith.constant 176 : index
      %get3A_393 = tpu.vector_load %arg9[%get3A_391, %get3A_392] {strides = array<i32>} : memref<128x256xf32, #tpu.memory_space<vmem>>, vector<1x16xf32>,
      %get3A_394 = vector.shape_cast %get3A_393 : vector<1x16xf32> to vector<16xf32>
      %get3A_395 = arith.index_cast %add3A_281 : i32 to index
      %get3A_396 = arith.constant 176 : index
      %get3A_397 = tpu.vector_load %arg8[%get3A_395, %get3A_396] {strides = array<i32>} : memref<128x256xf32, #tpu.memory_space<vmem>>, vector<1x16xf32>,
      %get3A_398 = vector.shape_cast %get3A_397 : vector<1x16xf32> to vector<16xf32>
      %mul3A_399 = arith.mulf %get3A_394, %get3A_398 : vector<16xf32>
      %add3A_400 = arith.addf %add3A_390, %mul3A_399 : vector<16xf32>
      %get3A_401 = arith.index_cast %add3A_281 : i32 to index
      %get3A_402 = arith.constant 192 : index
      %get3A_403 = tpu.vector_load %arg9[%get3A_401, %get3A_402] {strides = array<i32>} : memref<128x256xf32, #tpu.memory_space<vmem>>, vector<1x16xf32>,
      %get3A_404 = vector.shape_cast %get3A_403 : vector<1x16xf32> to vector<16xf32>
      %get3A_405 = arith.index_cast %add3A_281 : i32 to index
      %get3A_406 = arith.constant 192 : index
      %get3A_407 = tpu.vector_load %arg8[%get3A_405, %get3A_406] {strides = array<i32>} : memref<128x256xf32, #tpu.memory_space<vmem>>, vector<1x16xf32>,
      %get3A_408 = vector.shape_cast %get3A_407 : vector<1x16xf32> to vector<16xf32>
      %mul3A_409 = arith.mulf %get3A_404, %get3A_408 : vector<16xf32>
      %add3A_410 = arith.addf %add3A_400, %mul3A_409 : vector<16xf32>
      %get3A_411 = arith.index_cast %add3A_281 : i32 to index
      %get3A_412 = arith.constant 208 : index
      %get3A_413 = tpu.vector_load %arg9[%get3A_411, %get3A_412] {strides = array<i32>} : memref<128x256xf32, #tpu.memory_space<vmem>>, vector<1x16xf32>,
      %get3A_414 = vector.shape_cast %get3A_413 : vector<1x16xf32> to vector<16xf32>
      %get3A_415 = arith.index_cast %add3A_281 : i32 to index
      %get3A_416 = arith.constant 208 : index
      %get3A_417 = tpu.vector_load %arg8[%get3A_415, %get3A_416] {strides = array<i32>} : memref<128x256xf32, #tpu.memory_space<vmem>>, vector<1x16xf32>,
      %get3A_418 = vector.shape_cast %get3A_417 : vector<1x16xf32> to vector<16xf32>
      %mul3A_419 = arith.mulf %get3A_414, %get3A_418 : vector<16xf32>
      %add3A_420 = arith.addf %add3A_410, %mul3A_419 : vector<16xf32>
      %get3A_421 = arith.index_cast %add3A_281 : i32 to index
      %get3A_422 = arith.constant 224 : index
      %get3A_423 = tpu.vector_load %arg9[%get3A_421, %get3A_422] {strides = array<i32>} : memref<128x256xf32, #tpu.memory_space<vmem>>, vector<1x16xf32>,
      %get3A_424 = vector.shape_cast %get3A_423 : vector<1x16xf32> to vector<16xf32>
      %get3A_425 = arith.index_cast %add3A_281 : i32 to index
      %get3A_426 = arith.constant 224 : index
      %get3A_427 = tpu.vector_load %arg8[%get3A_425, %get3A_426] {strides = array<i32>} : memref<128x256xf32, #tpu.memory_space<vmem>>, vector<1x16xf32>,
      %get3A_428 = vector.shape_cast %get3A_427 : vector<1x16xf32> to vector<16xf32>
      %mul3A_429 = arith.mulf %get3A_424, %get3A_428 : vector<16xf32>
      %add3A_430 = arith.addf %add3A_420, %mul3A_429 : vector<16xf32>
      %get3A_431 = arith.index_cast %add3A_281 : i32 to index
      %get3A_432 = arith.constant 240 : index
      %get3A_433 = tpu.vector_load %arg9[%get3A_431, %get3A_432] {strides = array<i32>} : memref<128x256xf32, #tpu.memory_space<vmem>>, vector<1x16xf32>,
      %get3A_434 = vector.shape_cast %get3A_433 : vector<1x16xf32> to vector<16xf32>
      %get3A_435 = arith.index_cast %add3A_281 : i32 to index
      %get3A_436 = arith.constant 240 : index
      %get3A_437 = tpu.vector_load %arg8[%get3A_435, %get3A_436] {strides = array<i32>} : memref<128x256xf32, #tpu.memory_space<vmem>>, vector<1x16xf32>,
      %get3A_438 = vector.shape_cast %get3A_437 : vector<1x16xf32> to vector<16xf32>
      %mul3A_439 = arith.mulf %get3A_434, %get3A_438 : vector<16xf32>
      %add3A_440 = arith.addf %add3A_430, %mul3A_439 : vector<16xf32>
      %mul3A_441 = arith.constant 16 : i32
      %mul3A_442 = arith.muli %add3A_281, %mul3A_441 : i32
      %swap3A_443 = arith.index_cast %mul3A_442 : i32 to index
      %swap3A_444 = tpu.vector_load %arg11[%swap3A_443] {strides = array<i32>} : memref<2048xf32, #tpu.memory_space<vmem>>, vector<16xf32>,
      %swap3A_445 = vector.shape_cast %swap3A_444 : vector<16xf32> to vector<16xf32>
      %swap3A_446 = vector.shape_cast %add3A_440 : vector<16xf32> to vector<16xf32>
      tpu.vector_store %arg11[%swap3A_443], %swap3A_446 {strides = array<i32>} : memref<2048xf32, #tpu.memory_space<vmem>>, vector<16xf32>,
    }
    %scan3A_101 = arith.constant 64 : i32
    %mul3A_102 = arith.constant 16 : i32
    %mul3A_103 = arith.muli %mul3A_2, %mul3A_102 : i32
    "tpu.region"() ({
      %run_scoped3A = tpu.sem_alloc : memref<!tpu.dma_semaphore, #tpu.memory_space<semaphore_mem>>
      %dma_start3A_108 = tpu.memref_slice %arg5[%mul3A_103] : memref<131072xf32, #tpu.memory_space<hbm>> -> memref<2048xf32, #tpu.memory_space<hbm>>
      %dma_start3A_109 = tpu.memref_slice %arg5[%mul3A_103] : memref<131072xf32, #tpu.memory_space<hbm>> -> memref<2048xf32, #tpu.memory_space<hbm>>
      tpu.enqueue_dma source(%arg10 : memref<2048xf32, #tpu.memory_space<vmem>>) target(%dma_start3A_109 : memref<2048xf32, #tpu.memory_space<hbm>>) target_semaphore(%run_scoped3A : memref<!tpu.dma_semaphore, #tpu.memory_space<semaphore_mem>>)
      %dma_wait3A_110 = tpu.memref_slice %arg5[%mul3A_103] : memref<131072xf32, #tpu.memory_space<hbm>> -> memref<2048xf32, #tpu.memory_space<hbm>>
      %dma_wait3A_111 = tpu.memref_slice %arg5[%mul3A_103] : memref<131072xf32, #tpu.memory_space<hbm>> -> memref<2048xf32, #tpu.memory_space<hbm>>
      tpu.wait_dma2 semaphore(%run_scoped3A : memref<!tpu.dma_semaphore, #tpu.memory_space<semaphore_mem>>) src(%arg10 : memref<2048xf32, #tpu.memory_space<vmem>>) dst(%dma_wait3A_111 : memref<2048xf32, #tpu.memory_space<hbm>>)
      tpu.yield
    }) : () -> ()
    %mul3A_104 = arith.constant 16 : i32
    %mul3A_105 = arith.muli %mul3A_2, %mul3A_104 : i32
    %add3A_106 = arith.constant 65536 : i32
    %add3A_107 = arith.addi %add3A_106, %mul3A_105 : i32
    "tpu.region"() ({
      %run_scoped3A = tpu.sem_alloc : memref<!tpu.dma_semaphore, #tpu.memory_space<semaphore_mem>>
      %dma_start3A_108 = tpu.memref_slice %arg5[%add3A_107] : memref<131072xf32, #tpu.memory_space<hbm>> -> memref<2048xf32, #tpu.memory_space<hbm>>
      %dma_start3A_109 = tpu.memref_slice %arg5[%add3A_107] : memref<131072xf32, #tpu.memory_space<hbm>> -> memref<2048xf32, #tpu.memory_space<hbm>>
      tpu.enqueue_dma source(%arg11 : memref<2048xf32, #tpu.memory_space<vmem>>) target(%dma_start3A_109 : memref<2048xf32, #tpu.memory_space<hbm>>) target_semaphore(%run_scoped3A : memref<!tpu.dma_semaphore, #tpu.memory_space<semaphore_mem>>)
      %dma_wait3A_110 = tpu.memref_slice %arg5[%add3A_107] : memref<131072xf32, #tpu.memory_space<hbm>> -> memref<2048xf32, #tpu.memory_space<hbm>>
      %dma_wait3A_111 = tpu.memref_slice %arg5[%add3A_107] : memref<131072xf32, #tpu.memory_space<hbm>> -> memref<2048xf32, #tpu.memory_space<hbm>>
      tpu.wait_dma2 semaphore(%run_scoped3A : memref<!tpu.dma_semaphore, #tpu.memory_space<semaphore_mem>>) src(%arg11 : memref<2048xf32, #tpu.memory_space<vmem>>) dst(%dma_wait3A_111 : memref<2048xf32, #tpu.memory_space<hbm>>)
      tpu.yield
    }) : () -> ()
    return
  }
}

module attributes {stable_mosaic.version = 14 : i64} {
  func.func @_lse_body(%arg0: i32, %arg1: memref<2048x256xf32, #tpu.memory_space<vmem>>, %arg2: memref<16384x256xf32, #tpu.memory_space<vmem>>, %arg3: memref<1x1xf32, #tpu.memory_space<smem>>, %arg4: memref<2048xf32, #tpu.memory_space<vmem>>, %arg5: memref<16384x256xbf16, #tpu.memory_space<vmem>>) attributes {dimension_semantics = [#tpu.dimension_semantics<arbitrary>], iteration_bounds = array<i64: 2>, scalar_prefetch = 0 : i64, scratch_operands = 1 : i64, tpu.core_type = #tpu.core_type<tc>, window_params = [{transform_indices = @transform_0, window_bounds = array<i64: 2048, 256>}, {pipeline_mode = #tpu.pipeline_mode<synchronous>, transform_indices = @transform_1, window_bounds = array<i64: 16384, 256>}, {transform_indices = @transform_2, window_bounds = array<i64: 1, 1>}, {transform_indices = @transform_3, window_bounds = array<i64: 2048>}]} {
    %eq3A = arith.constant 0 : i32
    %eq3A_0 = arith.cmpi eq, %arg0, %eq3A : i32
    %convert_element_type3A = arith.extui %eq3A_0 : i1 to i32
    %cond3A = arith.constant 0 : i32
    %cond3A_1 = arith.cmpi ne, %convert_element_type3A, %cond3A : i32
    scf.if %cond3A_1 {
      %get3A_114 = arith.constant 0 : index
      %get3A_115 = arith.constant 0 : index
      %get3A_116 = vector.load %arg2[%get3A_114, %get3A_115] : memref<16384x256xf32, #tpu.memory_space<vmem>>, vector<16384x256xf32>
      %convert_element_type3A_117 = arith.truncf %get3A_116 : vector<16384x256xf32> to vector<16384x256xbf16>
      %swap3A_118 = arith.constant 0 : index
      %swap3A_119 = arith.constant 0 : index
      %swap3A_120 = vector.load %arg5[%swap3A_118, %swap3A_119] : memref<16384x256xbf16, #tpu.memory_space<vmem>>, vector<16384x256xbf16>
      tpu.vector_store %arg5[%swap3A_118, %swap3A_119], %convert_element_type3A_117 {strides = array<i32>} : memref<16384x256xbf16, #tpu.memory_space<vmem>>, vector<16384x256xbf16>,
    } else {
    }
    %get3A = arith.constant 0 : index
    %get3A_2 = arith.constant 0 : index
    %get3A_3 = vector.load %arg1[%get3A, %get3A_2] : memref<2048x256xf32, #tpu.memory_space<vmem>>, vector<2048x256xf32>
    %mul3A = arith.mulf %get3A_3, %get3A_3 : vector<2048x256xf32>
    %reduce_sum3A = arith.constant dense<0.000000e+00> : vector<2048xf32>
    %reduce_sum3A_4 = vector.multi_reduction <add>, %mul3A, %reduce_sum3A [1] : vector<2048x256xf32> to vector<2048xf32>
    %broadcast_in_dim3A = vector.shape_cast %reduce_sum3A_4 : vector<2048xf32> to vector<2048x1xf32>
    %sqrt3A = math.sqrt %broadcast_in_dim3A : vector<2048x1xf32>
    %max3A = arith.constant 9.99999996E-13 : f32
    %max3A_5 = vector.broadcast %max3A : f32 to vector<2048x1xf32>
    %max3A_6 = arith.maximumf %sqrt3A, %max3A_5 : vector<2048x1xf32>
    %div3A = vector.broadcast %max3A_6 : vector<2048x1xf32> to vector<2048x256xf32>
    %div3A_7 = arith.divf %get3A_3, %div3A : vector<2048x256xf32>
    %mul3A_8 = arith.constant 2.885390e+01 : f32
    %mul3A_9 = vector.broadcast %mul3A_8 : f32 to vector<2048x256xf32>
    %mul3A_10 = arith.mulf %div3A_7, %mul3A_9 : vector<2048x256xf32>
    %convert_element_type3A_11 = arith.truncf %mul3A_10 : vector<2048x256xf32> to vector<2048x256xbf16>
    %broadcast_in_dim3A_12 = arith.constant 0.000000e+00 : f32
    %broadcast_in_dim3A_13 = vector.broadcast %broadcast_in_dim3A_12 : f32 to vector<2048xf32>
    %broadcast_in_dim3A_14 = arith.constant 0.000000e+00 : f32
    %broadcast_in_dim3A_15 = vector.broadcast %broadcast_in_dim3A_14 : f32 to vector<2048xf32>
    %get3A_16 = arith.constant 0 : index
    %get3A_17 = arith.constant 0 : index
    %get3A_18 = vector.load %arg5[%get3A_16, %get3A_17] : memref<16384x256xbf16, #tpu.memory_space<vmem>>, vector<2048x256xbf16>
    %dot_general3A = arith.constant dense<0.000000e+00> : vector<2048x2048xf32>
    %dot_general3A_19 = tpu.matmul %convert_element_type3A_11, %get3A_18, %dot_general3A {dimension_numbers = #tpu.dot_dimension_numbers<[1], [1], [0], [0], [0, 0, 1, 0], [], []>, transpose_lhs_hint = false} : vector<2048x256xbf16>, vector<2048x256xbf16>, vector<2048x2048xf32> -> vector<2048x2048xf32>
    %exp23A = math.exp2 %dot_general3A_19 : vector<2048x2048xf32>
    %reduce_sum3A_20 = arith.constant dense<0.000000e+00> : vector<2048xf32>
    %reduce_sum3A_21 = vector.multi_reduction <add>, %exp23A, %reduce_sum3A_20 [1] : vector<2048x2048xf32> to vector<2048xf32>
    %add3A = arith.addf %broadcast_in_dim3A_13, %reduce_sum3A_21 : vector<2048xf32>
    %get3A_22 = arith.constant 8192 : index
    %get3A_23 = arith.constant 0 : index
    %get3A_24 = vector.load %arg5[%get3A_22, %get3A_23] : memref<16384x256xbf16, #tpu.memory_space<vmem>>, vector<2048x256xbf16>
    %dot_general3A_25 = arith.constant dense<0.000000e+00> : vector<2048x2048xf32>
    %dot_general3A_26 = tpu.matmul %convert_element_type3A_11, %get3A_24, %dot_general3A_25 {dimension_numbers = #tpu.dot_dimension_numbers<[1], [1], [0], [0], [0, 0, 1, 0], [], []>, transpose_lhs_hint = false} : vector<2048x256xbf16>, vector<2048x256xbf16>, vector<2048x2048xf32> -> vector<2048x2048xf32>
    %exp23A_27 = math.exp2 %dot_general3A_26 : vector<2048x2048xf32>
    %reduce_sum3A_28 = arith.constant dense<0.000000e+00> : vector<2048xf32>
    %reduce_sum3A_29 = vector.multi_reduction <add>, %exp23A_27, %reduce_sum3A_28 [1] : vector<2048x2048xf32> to vector<2048xf32>
    %add3A_30 = arith.addf %broadcast_in_dim3A_15, %reduce_sum3A_29 : vector<2048xf32>
    %get3A_31 = arith.constant 2048 : index
    %get3A_32 = arith.constant 0 : index
    %get3A_33 = vector.load %arg5[%get3A_31, %get3A_32] : memref<16384x256xbf16, #tpu.memory_space<vmem>>, vector<2048x256xbf16>
    %dot_general3A_34 = arith.constant dense<0.000000e+00> : vector<2048x2048xf32>
    %dot_general3A_35 = tpu.matmul %convert_element_type3A_11, %get3A_33, %dot_general3A_34 {dimension_numbers = #tpu.dot_dimension_numbers<[1], [1], [0], [0], [0, 0, 1, 0], [], []>, transpose_lhs_hint = false} : vector<2048x256xbf16>, vector<2048x256xbf16>, vector<2048x2048xf32> -> vector<2048x2048xf32>
    %exp23A_36 = math.exp2 %dot_general3A_35 : vector<2048x2048xf32>
    %reduce_sum3A_37 = arith.constant dense<0.000000e+00> : vector<2048xf32>
    %reduce_sum3A_38 = vector.multi_reduction <add>, %exp23A_36, %reduce_sum3A_37 [1] : vector<2048x2048xf32> to vector<2048xf32>
    %add3A_39 = arith.addf %add3A, %reduce_sum3A_38 : vector<2048xf32>
    %get3A_40 = arith.constant 10240 : index
    %get3A_41 = arith.constant 0 : index
    %get3A_42 = vector.load %arg5[%get3A_40, %get3A_41] : memref<16384x256xbf16, #tpu.memory_space<vmem>>, vector<2048x256xbf16>
    %dot_general3A_43 = arith.constant dense<0.000000e+00> : vector<2048x2048xf32>
    %dot_general3A_44 = tpu.matmul %convert_element_type3A_11, %get3A_42, %dot_general3A_43 {dimension_numbers = #tpu.dot_dimension_numbers<[1], [1], [0], [0], [0, 0, 1, 0], [], []>, transpose_lhs_hint = false} : vector<2048x256xbf16>, vector<2048x256xbf16>, vector<2048x2048xf32> -> vector<2048x2048xf32>
    %exp23A_45 = math.exp2 %dot_general3A_44 : vector<2048x2048xf32>
    %reduce_sum3A_46 = arith.constant dense<0.000000e+00> : vector<2048xf32>
    %reduce_sum3A_47 = vector.multi_reduction <add>, %exp23A_45, %reduce_sum3A_46 [1] : vector<2048x2048xf32> to vector<2048xf32>
    %add3A_48 = arith.addf %add3A_30, %reduce_sum3A_47 : vector<2048xf32>
    %get3A_49 = arith.constant 4096 : index
    %get3A_50 = arith.constant 0 : index
    %get3A_51 = vector.load %arg5[%get3A_49, %get3A_50] : memref<16384x256xbf16, #tpu.memory_space<vmem>>, vector<2048x256xbf16>
    %dot_general3A_52 = arith.constant dense<0.000000e+00> : vector<2048x2048xf32>
    %dot_general3A_53 = tpu.matmul %convert_element_type3A_11, %get3A_51, %dot_general3A_52 {dimension_numbers = #tpu.dot_dimension_numbers<[1], [1], [0], [0], [0, 0, 1, 0], [], []>, transpose_lhs_hint = false} : vector<2048x256xbf16>, vector<2048x256xbf16>, vector<2048x2048xf32> -> vector<2048x2048xf32>
    %exp23A_54 = math.exp2 %dot_general3A_53 : vector<2048x2048xf32>
    %reduce_sum3A_55 = arith.constant dense<0.000000e+00> : vector<2048xf32>
    %reduce_sum3A_56 = vector.multi_reduction <add>, %exp23A_54, %reduce_sum3A_55 [1] : vector<2048x2048xf32> to vector<2048xf32>
    %add3A_57 = arith.addf %add3A_39, %reduce_sum3A_56 : vector<2048xf32>
    %get3A_58 = arith.constant 12288 : index
    %get3A_59 = arith.constant 0 : index
    %get3A_60 = vector.load %arg5[%get3A_58, %get3A_59] : memref<16384x256xbf16, #tpu.memory_space<vmem>>, vector<2048x256xbf16>
    %dot_general3A_61 = arith.constant dense<0.000000e+00> : vector<2048x2048xf32>
    %dot_general3A_62 = tpu.matmul %convert_element_type3A_11, %get3A_60, %dot_general3A_61 {dimension_numbers = #tpu.dot_dimension_numbers<[1], [1], [0], [0], [0, 0, 1, 0], [], []>, transpose_lhs_hint = false} : vector<2048x256xbf16>, vector<2048x256xbf16>, vector<2048x2048xf32> -> vector<2048x2048xf32>
    %exp23A_63 = math.exp2 %dot_general3A_62 : vector<2048x2048xf32>
    %reduce_sum3A_64 = arith.constant dense<0.000000e+00> : vector<2048xf32>
    %reduce_sum3A_65 = vector.multi_reduction <add>, %exp23A_63, %reduce_sum3A_64 [1] : vector<2048x2048xf32> to vector<2048xf32>
    %add3A_66 = arith.addf %add3A_48, %reduce_sum3A_65 : vector<2048xf32>
    %get3A_67 = arith.constant 6144 : index
    %get3A_68 = arith.constant 0 : index
    %get3A_69 = vector.load %arg5[%get3A_67, %get3A_68] : memref<16384x256xbf16, #tpu.memory_space<vmem>>, vector<2048x256xbf16>
    %dot_general3A_70 = arith.constant dense<0.000000e+00> : vector<2048x2048xf32>
    %dot_general3A_71 = tpu.matmul %convert_element_type3A_11, %get3A_69, %dot_general3A_70 {dimension_numbers = #tpu.dot_dimension_numbers<[1], [1], [0], [0], [0, 0, 1, 0], [], []>, transpose_lhs_hint = false} : vector<2048x256xbf16>, vector<2048x256xbf16>, vector<2048x2048xf32> -> vector<2048x2048xf32>
    %exp23A_72 = math.exp2 %dot_general3A_71 : vector<2048x2048xf32>
    %reduce_sum3A_73 = arith.constant dense<0.000000e+00> : vector<2048xf32>
    %reduce_sum3A_74 = vector.multi_reduction <add>, %exp23A_72, %reduce_sum3A_73 [1] : vector<2048x2048xf32> to vector<2048xf32>
    %add3A_75 = arith.addf %add3A_57, %reduce_sum3A_74 : vector<2048xf32>
    %get3A_76 = arith.constant 14336 : index
    %get3A_77 = arith.constant 0 : index
    %get3A_78 = vector.load %arg5[%get3A_76, %get3A_77] : memref<16384x256xbf16, #tpu.memory_space<vmem>>, vector<2048x256xbf16>
    %dot_general3A_79 = arith.constant dense<0.000000e+00> : vector<2048x2048xf32>
    %dot_general3A_80 = tpu.matmul %convert_element_type3A_11, %get3A_78, %dot_general3A_79 {dimension_numbers = #tpu.dot_dimension_numbers<[1], [1], [0], [0], [0, 0, 1, 0], [], []>, transpose_lhs_hint = false} : vector<2048x256xbf16>, vector<2048x256xbf16>, vector<2048x2048xf32> -> vector<2048x2048xf32>
    %exp23A_81 = math.exp2 %dot_general3A_80 : vector<2048x2048xf32>
    %reduce_sum3A_82 = arith.constant dense<0.000000e+00> : vector<2048xf32>
    %reduce_sum3A_83 = vector.multi_reduction <add>, %exp23A_81, %reduce_sum3A_82 [1] : vector<2048x2048xf32> to vector<2048xf32>
    %add3A_84 = arith.addf %add3A_66, %reduce_sum3A_83 : vector<2048xf32>
    %squeeze3A = vector.shape_cast %sqrt3A : vector<2048x1xf32> to vector<2048xf32>
    %max3A_85 = arith.constant 9.99999996E-13 : f32
    %max3A_86 = vector.broadcast %max3A_85 : f32 to vector<2048xf32>
    %max3A_87 = arith.maximumf %squeeze3A, %max3A_86 : vector<2048xf32>
    %mul3A_88 = arith.constant 5.000000e-02 : f32
    %mul3A_89 = vector.broadcast %mul3A_88 : f32 to vector<2048xf32>
    %mul3A_90 = arith.mulf %mul3A_89, %max3A_87 : vector<2048xf32>
    %div3A_91 = arith.constant 1.000000e+00 : f32
    %div3A_92 = vector.broadcast %div3A_91 : f32 to vector<2048xf32>
    %div3A_93 = arith.divf %div3A_92, %mul3A_90 : vector<2048xf32>
    %swap3A = arith.constant 0 : index
    %swap3A_94 = vector.load %arg4[%swap3A] : memref<2048xf32, #tpu.memory_space<vmem>>, vector<2048xf32>
    tpu.vector_store %arg4[%swap3A], %div3A_93 {strides = array<i32>} : memref<2048xf32, #tpu.memory_space<vmem>>, vector<2048xf32>,
    %log3A = math.log %add3A_75 : vector<2048xf32>
    %log3A_95 = math.log %add3A_84 : vector<2048xf32>
    %add3A_96 = arith.addf %log3A, %log3A_95 : vector<2048xf32>
    %reduce_sum3A_97 = vector.shape_cast %add3A_96 : vector<2048xf32> to vector<1x2048xf32>
    %reduce_sum3A_98 = arith.constant dense<0.000000e+00> : vector<1xf32>
    %reduce_sum3A_99 = vector.multi_reduction <add>, %reduce_sum3A_97, %reduce_sum3A_98 [1] : vector<1x2048xf32> to vector<1xf32>
    %reduce_sum3A_100 = vector.shape_cast %reduce_sum3A_99 : vector<1xf32> to vector<1x1xf32>
    %reduce_sum3A_101 = vector.extract %reduce_sum3A_100[0, 0] : f32 from vector<1x1xf32>
    %eq3A_102 = arith.constant 0 : i32
    %eq3A_103 = arith.cmpi eq, %arg0, %eq3A_102 : i32
    %convert_element_type3A_104 = arith.extui %eq3A_103 : i1 to i32
    %cond3A_105 = arith.constant 0 : i32
    %cond3A_106 = arith.cmpi ne, %convert_element_type3A_104, %cond3A_105 : i32
    scf.if %cond3A_106 {
      %swap3A_114 = arith.constant 0.000000e+00 : f32
      %swap3A_115 = arith.constant 0 : index
      %swap3A_116 = arith.constant 0 : index
      %swap3A_117 = memref.load %arg3[%swap3A_115, %swap3A_116] : memref<1x1xf32, #tpu.memory_space<smem>>
      memref.store %swap3A_114, %arg3[%swap3A_115, %swap3A_116] : memref<1x1xf32, #tpu.memory_space<smem>>
    } else {
    }
    %get3A_107 = arith.constant 0 : index
    %get3A_108 = arith.constant 0 : index
    %get3A_109 = memref.load %arg3[%get3A_107, %get3A_108] : memref<1x1xf32, #tpu.memory_space<smem>>
    %add3A_110 = arith.addf %get3A_109, %reduce_sum3A_101 : f32
    %swap3A_111 = arith.constant 0 : index
    %swap3A_112 = arith.constant 0 : index
    %swap3A_113 = memref.load %arg3[%swap3A_111, %swap3A_112] : memref<1x1xf32, #tpu.memory_space<smem>>
    memref.store %add3A_110, %arg3[%swap3A_111, %swap3A_112] : memref<1x1xf32, #tpu.memory_space<smem>>
    return
  }
  func.func @transform_0(%arg0: i32) -> (i32, i32) {
    %c0_i32 = arith.constant 0 : i32
    %c0_i32_0 = arith.constant 0 : i32
    return %arg0, %c0_i32 : i32, i32
  }
  func.func @transform_1(%arg0: i32) -> (i32, i32) {
    %c0_i32 = arith.constant 0 : i32
    %c0_i32_0 = arith.constant 0 : i32
    %c0_i32_1 = arith.constant 0 : i32
    return %c0_i32, %c0_i32_0 : i32, i32
  }
  func.func @transform_2(%arg0: i32) -> (i32, i32) {
    %c0_i32 = arith.constant 0 : i32
    %c0_i32_0 = arith.constant 0 : i32
    %c0_i32_1 = arith.constant 0 : i32
    return %c0_i32, %c0_i32_0 : i32, i32
  }
  func.func @transform_3(%arg0: i32) -> i32 {
    %c0_i32 = arith.constant 0 : i32
    return %arg0 : i32
  }
}

module attributes {stable_mosaic.version = 14 : i64} {
  func.func @_combine_body(%arg0: memref<131072xf32, #tpu.memory_space<vmem>>, %arg1: memref<512x8xf32, #tpu.memory_space<vmem>>, %arg2: memref<1x1xf32, #tpu.memory_space<smem>>, %arg3: memref<1x1xf32, #tpu.memory_space<smem>>) attributes {dimension_semantics = [], scalar_prefetch = 0 : i64, scratch_operands = 0 : i64, tpu.core_type = #tpu.core_type<tc>} {
    %get3A = arith.constant 0 : index
    %get3A_0 = vector.load %arg0[%get3A] : memref<131072xf32, #tpu.memory_space<vmem>>, vector<65536xf32>
    %reshape3A = vector.shape_cast %get3A_0 : vector<65536xf32> to vector<512x128xf32>
    %get3A_1 = arith.constant 65536 : index
    %get3A_2 = vector.load %arg0[%get3A_1] : memref<131072xf32, #tpu.memory_space<vmem>>, vector<65536xf32>
    %reshape3A_3 = vector.shape_cast %get3A_2 : vector<65536xf32> to vector<512x128xf32>
    %iota3A = tpu.iota {dimensions = array<i32: 0>} : vector<128x8xi32>
    %iota3A_4 = tpu.iota {dimensions = array<i32: 1>} : vector<128x8xi32>
    %jit3A = arith.constant 16 : i32
    %div3A = vector.broadcast %jit3A : i32 to vector<128x8xi32>
    %div3A_5 = arith.divsi %iota3A, %div3A : vector<128x8xi32>
    %sign3A = arith.constant 0 : i32
    %sign3A_6 = vector.broadcast %sign3A : i32 to vector<128x8xi32>
    %sign3A_7 = arith.cmpi sgt, %iota3A, %sign3A_6 : vector<128x8xi32>
    %sign3A_8 = arith.extui %sign3A_7 : vector<128x8xi1> to vector<128x8xi32>
    %sign3A_9 = arith.constant 0 : i32
    %sign3A_10 = vector.broadcast %sign3A_9 : i32 to vector<128x8xi32>
    %sign3A_11 = arith.cmpi slt, %iota3A, %sign3A_10 : vector<128x8xi32>
    %sign3A_12 = arith.extui %sign3A_11 : vector<128x8xi1> to vector<128x8xi32>
    %sign3A_13 = arith.subi %sign3A_8, %sign3A_12 : vector<128x8xi32>
    %sign3A_14 = arith.constant 0 : i32
    %sign3A_15 = arith.cmpi sgt, %jit3A, %sign3A_14 : i32
    %sign3A_16 = arith.extui %sign3A_15 : i1 to i32
    %sign3A_17 = arith.constant 0 : i32
    %sign3A_18 = arith.cmpi slt, %jit3A, %sign3A_17 : i32
    %sign3A_19 = arith.extui %sign3A_18 : i1 to i32
    %sign3A_20 = arith.subi %sign3A_16, %sign3A_19 : i32
    %ne3A = vector.broadcast %sign3A_20 : i32 to vector<128x8xi32>
    %ne3A_21 = arith.cmpi ne, %sign3A_13, %ne3A : vector<128x8xi32>
    %rem3A = vector.broadcast %jit3A : i32 to vector<128x8xi32>
    %rem3A_22 = arith.remsi %iota3A, %rem3A : vector<128x8xi32>
    %ne3A_23 = arith.constant 0 : i32
    %ne3A_24 = vector.broadcast %ne3A_23 : i32 to vector<128x8xi32>
    %ne3A_25 = arith.cmpi ne, %rem3A_22, %ne3A_24 : vector<128x8xi32>
    %and3A = arith.andi %ne3A_21, %ne3A_25 : vector<128x8xi1>
    %sub3A = arith.constant 1 : i32
    %sub3A_26 = vector.broadcast %sub3A : i32 to vector<128x8xi32>
    %sub3A_27 = arith.subi %div3A_5, %sub3A_26 : vector<128x8xi32>
    %select_n3A = arith.select %and3A, %sub3A_27, %div3A_5 : vector<128x8xi1>, vector<128x8xi32>
    %eq3A = arith.cmpi eq, %select_n3A, %iota3A_4 : vector<128x8xi32>
    %convert_element_type3A = arith.extui %eq3A : vector<128x8xi1> to vector<128x8xi32>
    %convert_element_type3A_28 = arith.sitofp %convert_element_type3A : vector<128x8xi32> to vector<128x8xf32>
    %add3A = arith.addf %reshape3A, %reshape3A_3 : vector<512x128xf32>
    %dot_general3A = arith.constant dense<0.000000e+00> : vector<512x8xf32>
    %dot_general3A_29 = tpu.matmul %add3A, %convert_element_type3A_28, %dot_general3A {dimension_numbers = #tpu.dot_dimension_numbers<[1], [0], [0], [1], [0, 0, 1, 1], [], []>, transpose_lhs_hint = false} : vector<512x128xf32>, vector<128x8xf32>, vector<512x8xf32> -> vector<512x8xf32>
    %get3A_30 = arith.constant 0 : index
    %get3A_31 = arith.constant 0 : index
    %get3A_32 = vector.load %arg1[%get3A_30, %get3A_31] : memref<512x8xf32, #tpu.memory_space<vmem>>, vector<512x8xf32>
    %mul3A = arith.mulf %dot_general3A_29, %get3A_32 : vector<512x8xf32>
    %reduce_sum3A = vector.shape_cast %mul3A : vector<512x8xf32> to vector<1x512x8xf32>
    %reduce_sum3A_33 = arith.constant dense<0.000000e+00> : vector<1xf32>
    %reduce_sum3A_34 = vector.multi_reduction <add>, %reduce_sum3A, %reduce_sum3A_33 [1, 2] : vector<1x512x8xf32> to vector<1xf32>
    %reduce_sum3A_35 = vector.shape_cast %reduce_sum3A_34 : vector<1xf32> to vector<1x1x1xf32>
    %reduce_sum3A_36 = vector.extract %reduce_sum3A_35[0, 0, 0] : f32 from vector<1x1x1xf32>
    %get3A_37 = arith.constant 0 : index
    %get3A_38 = arith.constant 0 : index
    %get3A_39 = memref.load %arg2[%get3A_37, %get3A_38] : memref<1x1xf32, #tpu.memory_space<smem>>
    %sub3A_40 = arith.subf %get3A_39, %reduce_sum3A_36 : f32
    %mul3A_41 = arith.constant 1.22070313E-4 : f32
    %mul3A_42 = arith.mulf %sub3A_40, %mul3A_41 : f32
    %swap3A = arith.constant 0 : index
    %swap3A_43 = arith.constant 0 : index
    %swap3A_44 = memref.load %arg3[%swap3A, %swap3A_43] : memref<1x1xf32, #tpu.memory_space<smem>>
    memref.store %mul3A_42, %arg3[%swap3A, %swap3A_43] : memref<1x1xf32, #tpu.memory_space<smem>>
    return
  }
}

</mosaic_0001>

<sc_bundles>
// kernel: kernel.5.cloned.1.call-start
scs
__scs_entry_jumppad:
0x0: {  	(pc) =	sbr.rel $0x88, $3  }
0x1: {  	(tag) =	ssettag $0x0;
	lr =	simm.s32 $0x1  }
0x2: {  	[smem:$0x3F9E] =	sst lr;
	_ =	strace $0xD0000000  }
0x3: {  	_ = 	snop  }
0x4: {  	_ = 	snop  }
0x5: {  	_ = 	snop  }
0x6: {  	_ = 	snop  }
0x7: {  	_ = 	snop  }
__scs_overlays_trampoline_lowered:
0x8: {  	[smem:$0x3FAD] =	sst s0  }
0x9: {  	[smem:$0x3FAE] =	sst s1  }
0xa: {  	[smem:$0x3FAF] =	sst s2  }
0xb: {  	[smem:$0x3FB0] =	sst s3  }
0xc: {  	[smem:$0x3FB1] =	sst s4  }
0xd: {  	[smem:$0x3FB2] =	sst s5  }
0xe: {  	[smem:$0x3FB3] =	sst s6  }
0xf: {  	[smem:$0x3FB4] =	sst s7  }
0x10: {  	[smem:$0x3FB5] =	sst s8  }
0x11: {  	[smem:$0x3FB6] =	sst s9;
	s0 =	simm.s32 @!p0 $0x0  }
0x12: {  	s1 =	sld [smem:$0x3F9C];
	s0 =	simm.s32 @p0 $0x1  }
0x13: {  	[smem:$0x3FB7] =	sst s0;
	s0 =	simm.s32 @!p1 $0x0  }
0x14: {  	s2 =	sld [smem:$0x3F9B];
	s0 =	simm.s32 @p1 $0x1  }
0x15: {  	[smem:$0x3FB8] =	sst s0;
	s0 =	simm.s32 @!p2 $0x0  }
0x16: {  	s3 =	sld [smem:$0x3FDB];
	s0 =	simm.s32 @p2 $0x1  }
0x17: {  	s4 =	simm.s32 $0x1BF5;
	[smem:$0x3FBA] =	sst s0  }
0x18: {  	s0 =	sld [smem:$0x3F9D];
	_ =	swait.ge [sflag:s4], $0x0  }
0x19: {  	s7 =	sld [smem:$0x3F9E]  }
0x1a: {  	s8 =	sadd.s32 $0xFFFFE003, lr  }
0x1b: {  	s9 =	sadd.s32 $0xFFFFFEF7, lr;
	s5 =	simm.s32 $0xFFFFFFFF;
	p2 =	slt.u32 s8, $0xFFFFF086  }
0x1c: {  	p1 =	slt.u32 s9, $0xF7A;
	s5 =	simm.s32 @!p2 $0x0  }
0x1d: {  	s5 =	simm.s32 @p1 $0x1;
	p0 =	seq.s32 s7, s2  }
0x1e: {  	s7 =	smul.u32 @!p0 $0xF7A, s2;
	p2 =	seq.s32 @!p0 s5, $0x0  }
0x1f: {  	s9 =	smul.u32 $0xF7A, s1;
	s8 =	simm.s32 @!p0 $0x1BF5;
	p2 =	por !p2, p0  }
0x20: {  	[sflag:s8] =	ssyncset.s32 @!p0 $0xFFFFF086;
	s6 =	sadd.s32 @!p0 s3, s7;
	s7 =	simm.s32 @!p0 $0x108  }
0x21: {  	s3 =	sadd.s32 s3, s9;
	s6 =	sadd.s32 @!p0 $0x88, s6;
	s7 =	simm.s32 @p2 $0x1082  }
0x22: {  	[simem:s7], [sflag:s8] =	dma.local @!p0 [hbm:s6], $0xF7A  }
0x23: {  	s9 =	sor.u32 $0xD0000000, s2;
	s6 =	simm.s32 $0x108;
	_ =	swait.ge @!p0 [sflag:s8], $0x0  }
0x24: {  	s3 =	sadd.s32 $0x88, s3;
	s6 =	simm.s32 @!p1 $0x1082;
	[sflag:s4] =	ssyncset.s32 $0xFFFFF086  }
0x25: {  	[simem:s6], [sflag:s4] =	dma.local [hbm:s3], $0xF7A  }
0x26: {  	[smem:$0x3F9E] =	sst s1;
	(tag) =	ssettag s2;
	_ =	strace s9  }
0x27: {  	s1 =	sld [smem:$0x3FAE]  }
0x28: {  	s2 =	sld [smem:$0x3FAF]  }
0x29: {  	s4 =	sld [smem:$0x3FB1]  }
0x2a: {  	p0 =	seq.s32 s5, $0x0;
	s5 =	sld [smem:$0x3FB2]  }
0x2b: {  	s6 =	sld [smem:$0x3FB3]  }
0x2c: {  	s7 =	sld [smem:$0x3FB4]  }
0x2d: {  	s3 =	simm.s32 $0x108;
	s8 =	sld [smem:$0x3FB5]  }
0x2e: {  	s3 =	simm.s32 @!p0 $0x1082;
	s9 =	sld [smem:$0x3FB6]  }
0x2f: {  	lr =	sadd.s32 s0, s3;
	s0 =	sld [smem:$0x3FAD]  }
0x30: {  	s3 =	sld [smem:$0x3FB0]  }
0x31: {  	[smem:$0x3FB9] =	sst s10  }
0x32: {  	s10 =	sld [smem:$0x3FB7];
	_ =	sdelay $0x3  }
0x33: {  	p0 =	seq.s32 s10, $0x1;
	s10 =	sld [smem:$0x3FB9];
	_ =	sdelay $0x3  }
0x34: {  	[smem:$0x3FB9] =	sst s10  }
0x35: {  	s10 =	sld [smem:$0x3FB8];
	_ =	sdelay $0x3  }
0x36: {  	p1 =	seq.s32 s10, $0x1;
	s10 =	sld [smem:$0x3FB9];
	_ =	sdelay $0x3  }
0x37: {  	[smem:$0x3FB9] =	sst s10  }
0x38: {  	s10 =	sld [smem:$0x3FBA]  }
0x39: {  	_ = 	snop;
	(pc) =	sbr.ind lr, $3  }
0x3a: {  	_ = 	snop  }
0x3b: {  	_ = 	snop  }
0x3c: {  	p2 =	seq.s32 s10, $0x1;
	s10 =	sld [smem:$0x3FB9]  }
0x3d: {  	_ =	shalt  }
0x3e: {  	_ =	shalt  }
0x3f: {  	_ =	shalt  }
0x40: {  	_ =	shalt  }
0x41: {  	_ =	shalt  }
0x42: {  	_ =	shalt  }
0x43: {  	_ =	shalt  }
0x44: {  	_ =	shalt  }
0x45: {  	_ =	shalt  }
0x46: {  	_ =	shalt  }
0x47: {  	_ =	shalt  }
0x48: {  	_ =	shalt  }
0x49: {  	_ =	shalt  }
0x4a: {  	_ =	shalt  }
0x4b: {  	_ =	shalt  }
0x4c: {  	_ =	shalt  }
0x4d: {  	_ =	shalt  }
0x4e: {  	_ =	shalt  }
0x4f: {  	_ =	shalt  }
0x50: {  	_ =	shalt  }
0x51: {  	_ =	shalt  }
0x52: {  	_ =	shalt  }
0x53: {  	_ =	shalt  }
0x54: {  	_ =	shalt  }
0x55: {  	_ =	shalt  }
0x56: {  	_ =	shalt  }
0x57: {  	_ =	shalt  }
0x58: {  	_ =	shalt  }
0x59: {  	_ =	shalt  }
0x5a: {  	_ =	shalt  }
0x5b: {  	_ =	shalt  }
0x5c: {  	_ =	shalt  }
0x5d: {  	_ =	shalt  }
0x5e: {  	_ =	shalt  }
0x5f: {  	_ =	shalt  }
0x60: {  	_ =	shalt  }
0x61: {  	_ =	shalt  }
0x62: {  	_ =	shalt  }
0x63: {  	_ =	shalt  }
0x64: {  	_ =	shalt  }
0x65: {  	_ =	shalt  }
0x66: {  	_ =	shalt  }
0x67: {  	_ =	shalt  }
0x68: {  	_ =	shalt  }
0x69: {  	_ =	shalt  }
0x6a: {  	_ =	shalt  }
0x6b: {  	_ =	shalt  }
0x6c: {  	_ =	shalt  }
0x6d: {  	_ =	shalt  }
0x6e: {  	_ =	shalt  }
0x6f: {  	_ =	shalt  }
0x70: {  	_ =	shalt  }
0x71: {  	_ =	shalt  }
0x72: {  	_ =	shalt  }
0x73: {  	_ =	shalt  }
0x74: {  	_ =	shalt  }
0x75: {  	_ =	shalt  }
0x76: {  	_ =	shalt  }
0x77: {  	_ =	shalt  }
0x78: {  	_ =	shalt  }
0x79: {  	_ =	shalt  }
0x7a: {  	_ =	shalt  }
0x7b: {  	_ =	shalt  }
0x7c: {  	_ =	shalt  }
0x7d: {  	_ =	shalt  }
0x7e: {  	_ =	shalt  }
0x7f: {  	_ =	shalt  }
0x80: {  	_ =	shalt  }
0x81: {  	_ =	shalt  }
0x82: {  	_ =	shalt  }
0x83: {  	_ =	shalt  }
0x84: {  	_ =	shalt  }
0x85: {  	_ =	shalt  }
0x86: {  	_ =	shalt  }
0x87: {  	_ =	shalt  }
.Lfunc_end0:
.L_simem_size_0:
called_computation_lowered:
.L_overlay_start_0:
0x88: {  	s2 =	sld [smem:$0x3FD9]  }
0x89: {  	s3 =	sld [smem:$0x3FFE];
	_ =	sdelay $0x1  }
0x8a: {  	s1 =	srdreg.scid  }
0x8b: {  	s0 =	sand.u32 $0x1, s1  }
0x8c: {  	s17 =	sshll.u32 s0, $0xA;
	s2 =	sadd.s32 s3, s2  }
0x8d: {  	s2 =	sadd.s32 s2, s17  }
0x8e: {  	[smem:$0x3FC5] =	sst s2  }
0x8f: {  	_ = 	snop  }
0x90: {  	s2 =	sld [smem:$0x3FC9]  }
0x91: {  	s18 =	sld [smem:$0x3FC8]  }
0x92: {  	s4 =	sld [smem:$0x3FC7];
	(tm) =	ssettm $0x1  }
0x93: {  	s5 =	sld [smem:$0x3FFB];
	_ =	sdelay $0x3  }
0x94: {  	_ =	strace s5  }
0x95: {  	s5 =	sld [smem:$0x3FFC];
	_ =	sdelay $0x3  }
0x96: {  	_ =	strace s5  }
0x97: {  	s5 =	sld [smem:$0x3FFD];
	_ =	sdelay $0x3  }
0x98: {  	_ =	strace s5  }
0x99: {  	_ =	strace $0x8FFFFFFF  }
0x9a: {  	s19 =	sld [smem:$0x3FDB];
	_ =	sdelay $0x1  }
0x9b: {  	s6 =	simm.s32 $_scs_section_size  }
0x9c: {  	s7 =	simm.s32 $_size__tile_overlayer_lowered;
	s8 =	simm.s32 $_tile_overlayer_lowered  }
0x9d: {  	s22 =	simm.s32 $0x1BFF;
	s21 =	sshll.u32 s8, $0x1;
	s5 =	sadd.s32 s6, s19  }
0x9e: {  	s9 =	simm.s32 $0x0;
	s20 =	sshll.u32 s7, $0x1;
	s7 =	sadd.s32 s21, s5  }
0x9f: {  	[timem:s9], [sflag:s22] =	dma.local [hbm:s7], s20  }
0xa0: {  	_ =	swait.ge [sflag:s22], s20  }
0xa1: {  	s6 =	ssub.s32 $0x0, s20;
	[sflag:s22] =	ssyncset.done $0x0  }
0xa2: {  	[sflag:s22] =	ssyncadd.s32 s6;
	_ =	sdelay $0x1  }
0xa3: {  	s23 =	simm.s32 $0x1B8B  }
0xa4: {  	_ =	swait.ge [sflag:s23], $0x1  }
0xa5: {  	[sflag:s23] =	ssyncset.done $0x0  }
0xa6: {  	s25 =	simm.s32 $0x1B8E;
	s24 =	sld [smem:$0x3FFE];
	[sflag:s23] =	ssyncadd.s32 $0xFFFFFFFF  }
0xa7: {  	s26 =	simm.s32 $execute0_lowered;
	[smem:$0x3FD2] =	sst s25  }
0xa8: {  	s7 =	sshll.u32 s26, $0x1;
	_ =	strace $0x80000046;
	[dreg:$0x1] =	wrdreg $0xFFFFFFFF  }
0xa9: {  	s28 =	simm.s32 $_size_execute0_lowered;
	s5 =	sadd.s32 s5, s7;
	[dreg:$0x0] =	wrdreg $0x0  }
0xaa: {  	s7 =	sshll.u32 s28, $0x1;
	[dreg:$0x2] =	wrdreg s5  }
0xab: {  	[dreg:$0x3] =	wrdreg s7  }
0xac: {  	[dreg:$0x4] =	wrdreg $0xC0  }
0xad: {  	_ =	task [dreg:s9], $0x5FFFF  }
0xae: {  	[dreg:$0x1] =	wrdreg $0xFFFFFFFF  }
0xaf: {  	[dreg:$0x0] =	wrdreg $0x60  }
0xb0: {  	[dreg:$0x2] =	wrdreg s18  }
0xb1: {  	[dreg:$0x3] =	wrdreg s2  }
0xb2: {  	[dreg:$0x4] =	wrdreg s4  }
0xb3: {  	[dreg:$0x5] =	wrdreg s24  }
0xb4: {  	[dreg:$0x6] =	wrdreg $0x9  }
0xb5: {  	_ =	task.clear_ibuf [dreg:s9], $0x7FFFF;
	_ =	strace $0x90000046  }
0xb6: {  	s29 =	simm.s32 $0x9;
	_ =	strace $0x80000048  }
0xb7: {  	_ =	swait.ge [sflag:s29], $0x1  }
0xb8: {  	[sflag:s29] =	ssyncadd.s32 $0xFFFFFFFF  }
0xb9: {  	_ =	strace $0x90000048  }
0xba: {  	_ =	sfence  }
0xbb: {  	s30 =	sld [smem:$0x0];
	_ =	sdelay $0x2  }
0xbc: {  	s31 =	sshll.u32 s1, $0xD;
	s1 =	sshrl.u32 s1, $0x2  }
0xbd: {  	s3 =	sand.u32 $0x4000, s31;
	s1 =	sadd.s32 s1, s30  }
0xbe: {  	s0 =	sor.u32 s3, s0;
	s1 =	sshll.u32 s1, $0x11  }
0xbf: {  	s0 =	sor.u32 s1, s0  }
0xc0: {  	s0 =	sadd.s32 $0x8F2B, s0  }
0xc1: {  	[sflag:s0] =	ssyncadd.remote.s32 $0x1  }
0xc2: {  	_ =	sfence.sel $0xFFFF  }
0xc3: {  	[dreg:$0x0] =	wrdreg $0xFFFFFFFF;
	(pc) =	sbr.abs _section_cstart, $3  }
0xc4: {  	[dreg:$0x1] =	wrdreg $0xFFFFFFFF  }
0xc5: {  	_ =	task.clear_ibuf [dreg:s9], $0x2FFFF;
	_ =	strace $0x9FFFFFFF  }
0xc6: {  	(tm) =	ssettm $0x7FFFFFFF  }
0xc7: {  	_ =	shalt  }
tec
execute0_lowered:
.L_overlay_start_1:
0x0: {  	(tag) =	ssettag $0x1  }
0x1: {  	s0 =	rddreg [dreg:$0x0]  }
0x2: {  	s1 =	rddreg [dreg:$0x1]  }
0x3: {  	s2 =	rddreg [dreg:$0x2]  }
0x4: {  	s3 =	srdreg.scid;
	s6 =	stileid.u32  }
0x5: {  	s4 =	rddreg [dreg:$0x3];
	s9 =	simm.s32 $0x2;
	s12 =	simm.s32 $0x1100  }
0x6: {  	s13 =	simm.s32 $0x1900;
	s14 =	simm.s32 $0x2100;
	s15 =	simm.s32 $0x2900  }
0x7: {  	s16 =	simm.s32 $0x3100;
	s17 =	simm.s32 $0x3900;
	s18 =	simm.s32 $0x4100  }
0x8: {  	s19 =	simm.s32 $0x4900;
	s20 =	simm.s32 $0x5100;
	s21 =	simm.s32 $0x5900  }
0x9: {  	s22 =	simm.s32 $0x6100;
	s23 =	simm.s32 $0x6900;
	s24 =	simm.s32 $0x7100  }
0xa: {  	s25 =	simm.s32 $0x7900;
	s28 =	simm.s32 $0x1;
	s31 =	simm.s32 $0x0  }
0xb: {  	s5 =	sand.u32 $0x1, s3;
	s6 =	sshll.u32 s6, $0x1;
	s3 =	simm.s32 $0x0  }
0xc: {  	s6 =	sor.u32 s5, s6;
	[smem:$0x7FF] =	sst s3;
	s5 =	ssub.s32 $0x2, s5  }
0xd: {  	s7 =	sshll.u32 s6, $0x8;
	_ =	strace $0x80000047;
	s26 =	sshrl.u32 s5, $0x1  }
0xe: {  	v2 =	vlaneseq.u32;
	s29 =	sshll.u32 s6, $0x4;
	s30 =	sshll.u32 s6, $0xC;
	s7 =	sadd.s32 s7, s4  }
0xf: {  	vm0 =	vmmov $0xffff;
	v1 =	vshrl.u32 v2, $0x3;
	s8 =	ssub.s32 s5, s26;
	s4 =	sadd.s32 s0, s29;
	s5 =	sadd.s32 s1, s30  }
0x10: {  	v0 =	vand.u32 $0x7, v2;
	v2 =	vor.u32 $0x8, v2;
	v1 =	vmul.u32 $0x8, v1;
	s6 =	sadd.s32 $0xC00, s7;
	s7 =	sadd.s32 $0x2C00, s7;
	s8 =	smax.u32 s8, $0x1  }
.LBB2_1:
0x11: {  	[tilespmem:s3], [sflag:$0x2] =	stream.linear.gather [hbm4b:s4+s3], $0x80, $0x38;
	[tilespmem:$0x11100] =	vst v63  }
0x12: {  	_ =	swait.ge [sflag:s9], $0x80  }
0x13: {  	[sflag:s9] =	ssyncset.done $0x0  }
0x14: {  	[sflag:s9] =	ssyncadd.s32 $0xFFFFFF80  }
0x15: {  	v3 =	vld [tilespmem:$0x0]  }
0x16: {  	v4 =	vld [tilespmem:$0x0]  }
0x17: {  	v5 =	vld [tilespmem:$0x10]  }
0x18: {  	v6 =	vld [tilespmem:$0x20]  }
0x19: {  	v7 =	vld [tilespmem:$0x30]  }
0x1a: {  	v8 =	vld [tilespmem:$0x40];
	v9 =	vshll.u32 v3, $0x1  }
0x1b: {  	v10 =	vld [tilespmem:$0x50];
	v4 =	vadd.s32 $0x2000, v4;
	v3 =	vand.u32 $0x7, v3;
	v9 =	vand.u32 $0xFFFFFFF0, v9  }
0x1c: {  	[tilespmem:$0x80] =	vst v4;
	v4 =	vadd.s32 $0x2000, v5;
	v5 =	vld [tilespmem:$0x60];
	v3 =	vor.u32 v3, v9  }
0x1d: {  	[tilespmem:$0x90] =	vst v4;
	v4 =	vadd.s32 $0x2000, v6;
	v6 =	vld [tilespmem:$0x70];
	v9 =	vperm.xlane v3, v0  }
0x1e: {  	[tilespmem:$0xA0] =	vst v4;
	v4 =	vadd.s32 $0x2000, v7  }
0x1f: {  	v3 =	vperm.xlane v3, v2;
	[tilespmem:$0xB0] =	vst v4;
	v4 =	vadd.s32 $0x2000, v8;
	v7 =	vadd.s32 v1, v9  }
0x20: {  	[tilespmem:$0xC0] =	vst v4;
	v4 =	vadd.s32 $0x2000, v10  }
0x21: {  	v3 =	vadd.s32 v1, v3;
	[tilespmem:$0xD0] =	vst v4;
	v4 =	vadd.s32 $0x2000, v5  }
0x22: {  	[tilespmem:$0xE0] =	vst v4;
	v4 =	vadd.s32 $0x2000, v6  }
0x23: {  	s0 =	simm.s32 $0x100;
	[tilespmem:$0xF0] =	vst v4  }
0x24: {  	[tilespmem:s0], [sflag:$0x1] =	stream.indirect_vreg.gather [hbm4b:s2+s3], $0x80, v7, vm0, $0xb8;
	[tilespmem:$0x11100] =	vst v63  }
0x25: {  	s11 =	simm.s32 $0x900  }
0x26: {  	[tilespmem:s11], [sflag:$0x1] =	stream.indirect_vreg.gather [hbm4b:s2+s3], $0x80, v3, vm0, $0xb8;
	[tilespmem:$0x11100] =	vst v63  }
0x27: {  	v3 =	vld [tilespmem:$0x10];
	_ =	sdelay $0x4  }
0x28: {  	v4 =	vshll.u32 v3, $0x1  }
0x29: {  	v3 =	vand.u32 $0x7, v3;
	v4 =	vand.u32 $0xFFFFFFF0, v4  }
0x2a: {  	v3 =	vor.u32 v3, v4  }
0x2b: {  	v4 =	vperm.xlane v3, v0;
	_ =	sdelay $0x1  }
0x2c: {  	v3 =	vperm.xlane v3, v2;
	v4 =	vadd.s32 v1, v4;
	_ =	sdelay $0x1  }
0x2d: {  	v3 =	vadd.s32 v1, v3;
	_ =	sdelay $0x2  }
0x2e: {  	[tilespmem:s12], [sflag:$0x1] =	stream.indirect_vreg.gather [hbm4b:s2+s3], $0x80, v4, vm0, $0xb8;
	[tilespmem:$0x11100] =	vst v63  }
0x2f: {  	_ = 	snop  }
0x30: {  	[tilespmem:s13], [sflag:$0x1] =	stream.indirect_vreg.gather [hbm4b:s2+s3], $0x80, v3, vm0, $0xb8;
	[tilespmem:$0x11100] =	vst v63  }
0x31: {  	v3 =	vld [tilespmem:$0x20];
	_ =	sdelay $0x4  }
0x32: {  	v4 =	vshll.u32 v3, $0x1  }
0x33: {  	v3 =	vand.u32 $0x7, v3;
	v4 =	vand.u32 $0xFFFFFFF0, v4  }
0x34: {  	v3 =	vor.u32 v3, v4  }
0x35: {  	v4 =	vperm.xlane v3, v0;
	_ =	sdelay $0x1  }
0x36: {  	v3 =	vperm.xlane v3, v2;
	v4 =	vadd.s32 v1, v4;
	_ =	sdelay $0x1  }
0x37: {  	v3 =	vadd.s32 v1, v3;
	_ =	sdelay $0x2  }
0x38: {  	[tilespmem:s14], [sflag:$0x1] =	stream.indirect_vreg.gather [hbm4b:s2+s3], $0x80, v4, vm0, $0xb8;
	[tilespmem:$0x11100] =	vst v63  }
0x39: {  	_ = 	snop  }
0x3a: {  	[tilespmem:s15], [sflag:$0x1] =	stream.indirect_vreg.gather [hbm4b:s2+s3], $0x80, v3, vm0, $0xb8;
	[tilespmem:$0x11100] =	vst v63  }
0x3b: {  	v3 =	vld [tilespmem:$0x30];
	_ =	sdelay $0x4  }
0x3c: {  	v4 =	vshll.u32 v3, $0x1  }
0x3d: {  	v3 =	vand.u32 $0x7, v3;
	v4 =	vand.u32 $0xFFFFFFF0, v4  }
0x3e: {  	v3 =	vor.u32 v3, v4  }
0x3f: {  	v4 =	vperm.xlane v3, v0;
	_ =	sdelay $0x1  }
0x40: {  	v3 =	vperm.xlane v3, v2;
	v4 =	vadd.s32 v1, v4;
	_ =	sdelay $0x1  }
0x41: {  	v3 =	vadd.s32 v1, v3;
	_ =	sdelay $0x2  }
0x42: {  	[tilespmem:s16], [sflag:$0x1] =	stream.indirect_vreg.gather [hbm4b:s2+s3], $0x80, v4, vm0, $0xb8;
	[tilespmem:$0x11100] =	vst v63  }
0x43: {  	_ = 	snop  }
0x44: {  	[tilespmem:s17], [sflag:$0x1] =	stream.indirect_vreg.gather [hbm4b:s2+s3], $0x80, v3, vm0, $0xb8;
	[tilespmem:$0x11100] =	vst v63  }
0x45: {  	v3 =	vld [tilespmem:$0x40];
	_ =	sdelay $0x4  }
0x46: {  	v4 =	vshll.u32 v3, $0x1  }
0x47: {  	v3 =	vand.u32 $0x7, v3;
	v4 =	vand.u32 $0xFFFFFFF0, v4  }
0x48: {  	v3 =	vor.u32 v3, v4  }
0x49: {  	v4 =	vperm.xlane v3, v0;
	_ =	sdelay $0x1  }
0x4a: {  	v3 =	vperm.xlane v3, v2;
	v4 =	vadd.s32 v1, v4;
	_ =	sdelay $0x1  }
0x4b: {  	v3 =	vadd.s32 v1, v3;
	_ =	sdelay $0x2  }
0x4c: {  	[tilespmem:s18], [sflag:$0x1] =	stream.indirect_vreg.gather [hbm4b:s2+s3], $0x80, v4, vm0, $0xb8;
	[tilespmem:$0x11100] =	vst v63  }
0x4d: {  	_ = 	snop  }
0x4e: {  	[tilespmem:s19], [sflag:$0x1] =	stream.indirect_vreg.gather [hbm4b:s2+s3], $0x80, v3, vm0, $0xb8;
	[tilespmem:$0x11100] =	vst v63  }
0x4f: {  	v3 =	vld [tilespmem:$0x50];
	_ =	sdelay $0x4  }
0x50: {  	v4 =	vshll.u32 v3, $0x1  }
0x51: {  	v3 =	vand.u32 $0x7, v3;
	v4 =	vand.u32 $0xFFFFFFF0, v4  }
0x52: {  	v3 =	vor.u32 v3, v4  }
0x53: {  	v4 =	vperm.xlane v3, v0;
	_ =	sdelay $0x1  }
0x54: {  	v3 =	vperm.xlane v3, v2;
	v4 =	vadd.s32 v1, v4;
	_ =	sdelay $0x1  }
0x55: {  	v3 =	vadd.s32 v1, v3;
	_ =	sdelay $0x2  }
0x56: {  	[tilespmem:s20], [sflag:$0x1] =	stream.indirect_vreg.gather [hbm4b:s2+s3], $0x80, v4, vm0, $0xb8;
	[tilespmem:$0x11100] =	vst v63  }
0x57: {  	_ = 	snop  }
0x58: {  	[tilespmem:s21], [sflag:$0x1] =	stream.indirect_vreg.gather [hbm4b:s2+s3], $0x80, v3, vm0, $0xb8;
	[tilespmem:$0x11100] =	vst v63  }
0x59: {  	v3 =	vld [tilespmem:$0x60];
	_ =	sdelay $0x4  }
0x5a: {  	v4 =	vshll.u32 v3, $0x1  }
0x5b: {  	v3 =	vand.u32 $0x7, v3;
	v4 =	vand.u32 $0xFFFFFFF0, v4  }
0x5c: {  	v3 =	vor.u32 v3, v4  }
0x5d: {  	v4 =	vperm.xlane v3, v0;
	_ =	sdelay $0x1  }
0x5e: {  	v3 =	vperm.xlane v3, v2;
	v4 =	vadd.s32 v1, v4;
	_ =	sdelay $0x1  }
0x5f: {  	v3 =	vadd.s32 v1, v3;
	_ =	sdelay $0x2  }
0x60: {  	[tilespmem:s22], [sflag:$0x1] =	stream.indirect_vreg.gather [hbm4b:s2+s3], $0x80, v4, vm0, $0xb8;
	[tilespmem:$0x11100] =	vst v63  }
0x61: {  	_ = 	snop  }
0x62: {  	[tilespmem:s23], [sflag:$0x1] =	stream.indirect_vreg.gather [hbm4b:s2+s3], $0x80, v3, vm0, $0xb8;
	[tilespmem:$0x11100] =	vst v63  }
0x63: {  	v3 =	vld [tilespmem:$0x70];
	_ =	sdelay $0x4  }
0x64: {  	v4 =	vshll.u32 v3, $0x1  }
0x65: {  	v3 =	vand.u32 $0x7, v3;
	v4 =	vand.u32 $0xFFFFFFF0, v4  }
0x66: {  	v3 =	vor.u32 v3, v4  }
0x67: {  	v4 =	vperm.xlane v3, v0;
	_ =	sdelay $0x1  }
0x68: {  	v3 =	vperm.xlane v3, v2;
	v4 =	vadd.s32 v1, v4;
	_ =	sdelay $0x1  }
0x69: {  	v3 =	vadd.s32 v1, v3;
	_ =	sdelay $0x2  }
0x6a: {  	[tilespmem:s24], [sflag:$0x1] =	stream.indirect_vreg.gather [hbm4b:s2+s3], $0x80, v4, vm0, $0xb8;
	[tilespmem:$0x11100] =	vst v63  }
0x6b: {  	_ = 	snop  }
0x6c: {  	[tilespmem:s25], [sflag:$0x1] =	stream.indirect_vreg.gather [hbm4b:s2+s3], $0x80, v3, vm0, $0xb8;
	[tilespmem:$0x11100] =	vst v63  }
0x6d: {  	s26 =	simm.s32 $0x8100  }
0x6e: {  	[tilespmem:s26], [sflag:$0x2] =	stream.linear.gather [hbm4b:s5+s3], $0x8000, $0x38;
	[tilespmem:$0x11100] =	vst v63  }
0x6f: {  	_ =	swait.ge [sflag:s9], $0x8000  }
0x70: {  	[sflag:s9] =	ssyncset.done $0x0  }
0x71: {  	[sflag:s9] =	ssyncadd.s32 $0xFFFF8000  }
0x72: {  	s1 =	simm.s32 $0x0;
	_ =	swait.ge [sflag:s28], $0x8000  }
0x73: {  	s30 =	sand.u32 $0x7800, s3;
	s1 =	sand.u32 $0x300, s1;
	[sflag:s28] =	ssyncset.done $0x0  }
0x74: {  	s1 =	sor.u32 s1, s30;
	[sflag:s28] =	ssyncadd.s32 $0xFFFF8000  }
0x75: {  	v3 =	vld [tilespmem:s1+$0x110]  }
0x76: {  	v4 =	vld [tilespmem:s1+$0x100]  }
0x77: {  	v5 =	vld [tilespmem:s1+$0x8100]  }
0x78: {  	v6 =	vld [tilespmem:s1+$0x8110]  }
0x79: {  	v7 =	vld [tilespmem:s1+$0x120]  }
0x7a: {  	v8 =	vld [tilespmem:s1+$0x8120]  }
0x7b: {  	v9 =	vld [tilespmem:s1+$0x130]  }
0x7c: {  	v10 =	vld [tilespmem:s1+$0x8130]  }
0x7d: {  	v4 =	vmul.f32 v4, v5;
	v3 =	vmul.f32 v3, v6;
	v5 =	vld [tilespmem:s1+$0x140]  }
0x7e: {  	v6 =	vld [tilespmem:s1+$0x8140]  }
0x7f: {  	v3 =	vadd.f32 v3, v4;
	v4 =	vmul.f32 v7, v8;
	v7 =	vld [tilespmem:s1+$0x150]  }
0x80: {  	v8 =	vld [tilespmem:s1+$0x8150]  }
0x81: {  	v3 =	vadd.f32 v4, v3;
	v4 =	vmul.f32 v9, v10;
	v9 =	vld [tilespmem:s1+$0x160]  }
0x82: {  	v10 =	vld [tilespmem:s1+$0x8160]  }
0x83: {  	v3 =	vadd.f32 v4, v3;
	v4 =	vmul.f32 v5, v6;
	v5 =	vld [tilespmem:s1+$0x170]  }
0x84: {  	v6 =	vld [tilespmem:s1+$0x8170]  }
0x85: {  	v3 =	vadd.f32 v4, v3;
	v4 =	vmul.f32 v7, v8;
	v7 =	vld [tilespmem:s1+$0x500]  }
0x86: {  	v8 =	vld [tilespmem:s1+$0x8500]  }
0x87: {  	v3 =	vadd.f32 v4, v3;
	v4 =	vmul.f32 v9, v10;
	v9 =	vld [tilespmem:s1+$0x510]  }
0x88: {  	v10 =	vld [tilespmem:s1+$0x8510]  }
0x89: {  	v3 =	vadd.f32 v4, v3;
	v4 =	vmul.f32 v5, v6;
	v5 =	vld [tilespmem:s1+$0x520]  }
0x8a: {  	v6 =	vld [tilespmem:s1+$0x8520]  }
0x8b: {  	v3 =	vadd.f32 v4, v3;
	v4 =	vmul.f32 v7, v8;
	v7 =	vld [tilespmem:s1+$0x530]  }
0x8c: {  	v8 =	vld [tilespmem:s1+$0x8530]  }
0x8d: {  	v3 =	vadd.f32 v4, v3;
	v4 =	vmul.f32 v9, v10;
	v9 =	vld [tilespmem:s1+$0x540]  }
0x8e: {  	v10 =	vld [tilespmem:s1+$0x8540]  }
0x8f: {  	v3 =	vadd.f32 v4, v3;
	v4 =	vmul.f32 v5, v6;
	v5 =	vld [tilespmem:s1+$0x550]  }
0x90: {  	v6 =	vld [tilespmem:s1+$0x8550]  }
0x91: {  	v3 =	vadd.f32 v4, v3;
	v4 =	vmul.f32 v7, v8;
	v7 =	vld [tilespmem:s1+$0x560]  }
0x92: {  	v8 =	vld [tilespmem:s1+$0x8560]  }
0x93: {  	v3 =	vadd.f32 v4, v3;
	v4 =	vmul.f32 v9, v10;
	v9 =	vld [tilespmem:s1+$0x570]  }
0x94: {  	v10 =	vld [tilespmem:s1+$0x8570]  }
0x95: {  	v3 =	vadd.f32 v4, v3;
	v4 =	vmul.f32 v5, v6;
	_ =	sdelay $0x1  }
0x96: {  	v3 =	vadd.f32 v4, v3;
	v4 =	vmul.f32 v7, v8;
	_ =	sdelay $0x1  }
0x97: {  	v3 =	vadd.f32 v4, v3;
	v4 =	vmul.f32 v9, v10;
	_ =	sdelay $0x1  }
0x98: {  	s10 =	simm.s32 $0x80;
	v3 =	vadd.f32 v4, v3  }
0x99: {  	s10 =	sand.u32 $0x380, s10;
	s1 =	simm.s32 $0x10110  }
0x9a: {  	s0 =	sor.u32 s30, s10;
	[tilespmem:s1+$0xFFFFFFF0] =	vst v3  }
0x9b: {  	v3 =	vld [tilespmem:s0+$0x8100]  }
0x9c: {  	v4 =	vld [tilespmem:s0+$0x110]  }
0x9d: {  	v5 =	vld [tilespmem:s0+$0x8110]  }
0x9e: {  	v6 =	vld [tilespmem:s0+$0x100]  }
0x9f: {  	v7 =	vld [tilespmem:s0+$0x120]  }
0xa0: {  	v8 =	vld [tilespmem:s0+$0x8120]  }
0xa1: {  	v9 =	vld [tilespmem:s0+$0x130]  }
0xa2: {  	v10 =	vld [tilespmem:s0+$0x8130]  }
0xa3: {  	v4 =	vmul.f32 v4, v5;
	v3 =	vmul.f32 v6, v3;
	v5 =	vld [tilespmem:s0+$0x140]  }
0xa4: {  	v6 =	vld [tilespmem:s0+$0x8140]  }
0xa5: {  	v3 =	vadd.f32 v4, v3;
	v4 =	vmul.f32 v7, v8;
	v7 =	vld [tilespmem:s0+$0x150]  }
0xa6: {  	v8 =	vld [tilespmem:s0+$0x8150]  }
0xa7: {  	v3 =	vadd.f32 v4, v3;
	v4 =	vmul.f32 v9, v10;
	v9 =	vld [tilespmem:s0+$0x160]  }
0xa8: {  	v10 =	vld [tilespmem:s0+$0x8160]  }
0xa9: {  	v3 =	vadd.f32 v4, v3;
	v4 =	vmul.f32 v5, v6;
	v5 =	vld [tilespmem:s0+$0x170]  }
0xaa: {  	v6 =	vld [tilespmem:s0+$0x8170]  }
0xab: {  	v3 =	vadd.f32 v4, v3;
	v4 =	vmul.f32 v7, v8;
	v7 =	vld [tilespmem:s0+$0x500]  }
0xac: {  	v8 =	vld [tilespmem:s0+$0x8500]  }
0xad: {  	v3 =	vadd.f32 v4, v3;
	v4 =	vmul.f32 v9, v10;
	v9 =	vld [tilespmem:s0+$0x510]  }
0xae: {  	v10 =	vld [tilespmem:s0+$0x8510]  }
0xaf: {  	v3 =	vadd.f32 v4, v3;
	v4 =	vmul.f32 v5, v6;
	v5 =	vld [tilespmem:s0+$0x520]  }
0xb0: {  	v6 =	vld [tilespmem:s0+$0x8520]  }
0xb1: {  	v3 =	vadd.f32 v4, v3;
	v4 =	vmul.f32 v7, v8;
	v7 =	vld [tilespmem:s0+$0x530]  }
0xb2: {  	v8 =	vld [tilespmem:s0+$0x8530]  }
0xb3: {  	v3 =	vadd.f32 v4, v3;
	v4 =	vmul.f32 v9, v10;
	v9 =	vld [tilespmem:s0+$0x540]  }
0xb4: {  	v10 =	vld [tilespmem:s0+$0x8540]  }
0xb5: {  	v11 =	vld [tilespmem:s0+$0x550];
	v3 =	vadd.f32 v4, v3;
	v4 =	vmul.f32 v5, v6  }
0xb6: {  	v12 =	vld [tilespmem:s0+$0x8550]  }
0xb7: {  	v5 =	vld [tilespmem:s0+$0x8560];
	v6 =	vmul.f32 v7, v8;
	v4 =	vadd.f32 v4, v3  }
0xb8: {  	v3 =	vld [tilespmem:s0+$0x560]  }
0xb9: {  	v8 =	vmul.f32 v9, v10;
	v7 =	vadd.f32 v6, v4;
	v4 =	vld [tilespmem:s0+$0x570]  }
0xba: {  	v6 =	vld [tilespmem:s0+$0x8570]  }
0xbb: {  	s29 =	simm.s32 $0x0;
	s26 =	simm.s32 $0x180;
	s0 =	simm.s32 $0x10110;
	v7 =	vadd.f32 v8, v7;
	v8 =	vmul.f32 v11, v12  }
.LBB2_2:
0xbc: {  	p0 =	sne.s32 s26, $0x3F80;
	s1 =	sadd.s32 $0x20, s1;
	s29 =	sadd.s32 $0x200, s29  }
0xbd: {  	s30 =	smov.u32 s26;
	s26 =	sadd.s32 $0x100, s26;
	v7 =	vadd.f32 v8, v7;
	v3 =	vmul.f32 v3, v5;
	_ =	sdelay $0x1  }
0xbe: {  	v3 =	vadd.f32 v3, v7;
	v4 =	vmul.f32 v4, v6  }
0xbf: {  	s11 =	sadd.s32 $0xFFFFFF80, s30  }
0xc0: {  	s10 =	sand.u32 $0x7800, s29;
	s11 =	sand.u32 $0x300, s11;
	v3 =	vadd.f32 v4, v3  }
0xc1: {  	s11 =	sor.u32 s11, s10  }
0xc2: {  	[tilespmem:s0+$0x0] =	vst v3;
	s0 =	smov.u32 s1  }
0xc3: {  	v3 =	vld [tilespmem:s11+$0x110]  }
0xc4: {  	v4 =	vld [tilespmem:s11+$0x100]  }
0xc5: {  	v5 =	vld [tilespmem:s11+$0x8100]  }
0xc6: {  	v6 =	vld [tilespmem:s11+$0x8110]  }
0xc7: {  	v7 =	vld [tilespmem:s11+$0x120]  }
0xc8: {  	v8 =	vld [tilespmem:s11+$0x8120]  }
0xc9: {  	v9 =	vld [tilespmem:s11+$0x130]  }
0xca: {  	v10 =	vld [tilespmem:s11+$0x8130]  }
0xcb: {  	v4 =	vmul.f32 v4, v5;
	v3 =	vmul.f32 v3, v6;
	v5 =	vld [tilespmem:s11+$0x140]  }
0xcc: {  	v6 =	vld [tilespmem:s11+$0x8140]  }
0xcd: {  	v3 =	vadd.f32 v3, v4;
	v4 =	vmul.f32 v7, v8;
	v7 =	vld [tilespmem:s11+$0x150]  }
0xce: {  	v8 =	vld [tilespmem:s11+$0x8150]  }
0xcf: {  	v3 =	vadd.f32 v4, v3;
	v4 =	vmul.f32 v9, v10;
	v9 =	vld [tilespmem:s11+$0x160]  }
0xd0: {  	v10 =	vld [tilespmem:s11+$0x8160]  }
0xd1: {  	v3 =	vadd.f32 v4, v3;
	v4 =	vmul.f32 v5, v6;
	v5 =	vld [tilespmem:s11+$0x170]  }
0xd2: {  	v6 =	vld [tilespmem:s11+$0x8170]  }
0xd3: {  	v3 =	vadd.f32 v4, v3;
	v4 =	vmul.f32 v7, v8;
	v7 =	vld [tilespmem:s11+$0x500]  }
0xd4: {  	v8 =	vld [tilespmem:s11+$0x8500]  }
0xd5: {  	v3 =	vadd.f32 v4, v3;
	v4 =	vmul.f32 v9, v10;
	v9 =	vld [tilespmem:s11+$0x510]  }
0xd6: {  	v10 =	vld [tilespmem:s11+$0x8510]  }
0xd7: {  	v3 =	vadd.f32 v4, v3;
	v4 =	vmul.f32 v5, v6;
	v5 =	vld [tilespmem:s11+$0x520]  }
0xd8: {  	v6 =	vld [tilespmem:s11+$0x8520]  }
0xd9: {  	v3 =	vadd.f32 v4, v3;
	v4 =	vmul.f32 v7, v8;
	v7 =	vld [tilespmem:s11+$0x530]  }
0xda: {  	v8 =	vld [tilespmem:s11+$0x8530]  }
0xdb: {  	v3 =	vadd.f32 v4, v3;
	v4 =	vmul.f32 v9, v10;
	v9 =	vld [tilespmem:s11+$0x540]  }
0xdc: {  	v10 =	vld [tilespmem:s11+$0x8540]  }
0xdd: {  	v3 =	vadd.f32 v4, v3;
	v4 =	vmul.f32 v5, v6;
	v5 =	vld [tilespmem:s11+$0x550]  }
0xde: {  	v6 =	vld [tilespmem:s11+$0x8550]  }
0xdf: {  	v3 =	vadd.f32 v4, v3;
	v4 =	vmul.f32 v7, v8;
	v7 =	vld [tilespmem:s11+$0x560]  }
0xe0: {  	v8 =	vld [tilespmem:s11+$0x8560]  }
0xe1: {  	v3 =	vadd.f32 v4, v3;
	v4 =	vmul.f32 v9, v10;
	v9 =	vld [tilespmem:s11+$0x570]  }
0xe2: {  	v10 =	vld [tilespmem:s11+$0x8570]  }
0xe3: {  	v3 =	vadd.f32 v4, v3;
	v4 =	vmul.f32 v5, v6;
	_ =	sdelay $0x1  }
0xe4: {  	v3 =	vadd.f32 v4, v3;
	v4 =	vmul.f32 v7, v8;
	_ =	sdelay $0x1  }
0xe5: {  	v3 =	vadd.f32 v4, v3;
	v4 =	vmul.f32 v9, v10;
	_ =	sdelay $0x1  }
0xe6: {  	v3 =	vadd.f32 v4, v3  }
0xe7: {  	s11 =	sand.u32 $0x380, s30  }
0xe8: {  	s10 =	sor.u32 s10, s11;
	[tilespmem:s1+$0xFFFFFFF0] =	vst v3  }
0xe9: {  	v3 =	vld [tilespmem:s10+$0x8100]  }
0xea: {  	v4 =	vld [tilespmem:s10+$0x110]  }
0xeb: {  	v5 =	vld [tilespmem:s10+$0x8110]  }
0xec: {  	v6 =	vld [tilespmem:s10+$0x100]  }
0xed: {  	v7 =	vld [tilespmem:s10+$0x120]  }
0xee: {  	v8 =	vld [tilespmem:s10+$0x8120]  }
0xef: {  	v9 =	vld [tilespmem:s10+$0x130]  }
0xf0: {  	v4 =	vmul.f32 v4, v5;
	v5 =	vld [tilespmem:s10+$0x8130]  }
0xf1: {  	v3 =	vmul.f32 v6, v3;
	v6 =	vld [tilespmem:s10+$0x140]  }
0xf2: {  	v10 =	vld [tilespmem:s10+$0x8140]  }
0xf3: {  	v3 =	vadd.f32 v4, v3;
	v4 =	vmul.f32 v7, v8;
	v7 =	vld [tilespmem:s10+$0x150]  }
0xf4: {  	v8 =	vld [tilespmem:s10+$0x8150]  }
0xf5: {  	v3 =	vadd.f32 v4, v3;
	v4 =	vmul.f32 v9, v5;
	v5 =	vld [tilespmem:s10+$0x160]  }
0xf6: {  	v9 =	vld [tilespmem:s10+$0x8160]  }
0xf7: {  	v3 =	vadd.f32 v4, v3;
	v4 =	vmul.f32 v6, v10;
	v6 =	vld [tilespmem:s10+$0x170]  }
0xf8: {  	v10 =	vld [tilespmem:s10+$0x8170]  }
0xf9: {  	v3 =	vadd.f32 v4, v3;
	v4 =	vmul.f32 v7, v8;
	v7 =	vld [tilespmem:s10+$0x500]  }
0xfa: {  	v8 =	vld [tilespmem:s10+$0x8500]  }
0xfb: {  	v3 =	vadd.f32 v4, v3;
	v4 =	vmul.f32 v5, v9;
	v5 =	vld [tilespmem:s10+$0x510]  }
0xfc: {  	v9 =	vld [tilespmem:s10+$0x8510]  }
0xfd: {  	v3 =	vadd.f32 v4, v3;
	v4 =	vmul.f32 v6, v10;
	v6 =	vld [tilespmem:s10+$0x520]  }
0xfe: {  	v10 =	vld [tilespmem:s10+$0x8520]  }
0xff: {  	v3 =	vadd.f32 v4, v3;
	v4 =	vmul.f32 v7, v8;
	v7 =	vld [tilespmem:s10+$0x530]  }
0x100: {  	v8 =	vld [tilespmem:s10+$0x8530]  }
0x101: {  	v3 =	vadd.f32 v4, v3;
	v4 =	vmul.f32 v5, v9;
	v9 =	vld [tilespmem:s10+$0x540]  }
0x102: {  	v11 =	vld [tilespmem:s10+$0x8540]  }
0x103: {  	v3 =	vadd.f32 v4, v3;
	v4 =	vmul.f32 v6, v10;
	v10 =	vld [tilespmem:s10+$0x550]  }
0x104: {  	v12 =	vld [tilespmem:s10+$0x8550]  }
.Ltmp0:
0x105: {  	v4 =	vadd.f32 v4, v3;
	v6 =	vmul.f32 v7, v8;
	v3 =	vld [tilespmem:s10+$0x560];
	(pc) =	sbr.rel @p0 .LBB2_2-.Ltmp0, $4  }
0x106: {  	v5 =	vld [tilespmem:s10+$0x8560]  }
0x107: {  	v7 =	vadd.f32 v6, v4;
	v8 =	vmul.f32 v9, v11;
	v4 =	vld [tilespmem:s10+$0x570]  }
0x108: {  	v6 =	vld [tilespmem:s10+$0x8570]  }
0x109: {  	v7 =	vadd.f32 v8, v7;
	v8 =	vmul.f32 v10, v12  }
0x10a: {  	_ = 	snop  }
0x10b: {  	v7 =	vadd.f32 v8, v7;
	v3 =	vmul.f32 v3, v5;
	_ =	sdelay $0x1  }
0x10c: {  	v3 =	vadd.f32 v3, v7;
	v4 =	vmul.f32 v4, v6;
	_ =	sdelay $0x1  }
0x10d: {  	v3 =	vadd.f32 v4, v3;
	_ =	sdelay $0x1  }
0x10e: {  	[tilespmem:s0+$0x0] =	vst v3  }
0x10f: {  	v3 =	vld [tilespmem:$0x80];
	_ =	sdelay $0x4  }
0x110: {  	v4 =	vshll.u32 v3, $0x1  }
0x111: {  	v3 =	vand.u32 $0x7, v3;
	v4 =	vand.u32 $0xFFFFFFF0, v4  }
0x112: {  	v3 =	vor.u32 v3, v4  }
0x113: {  	v4 =	vperm.xlane v3, v0;
	_ =	sdelay $0x1  }
0x114: {  	v3 =	vperm.xlane v3, v2;
	v4 =	vadd.s32 v1, v4;
	_ =	sdelay $0x1  }
0x115: {  	v3 =	vadd.s32 v1, v3;
	_ =	sdelay $0x1  }
0x116: {  	s1 =	simm.s32 $0x0;
	s11 =	simm.s32 $0x100  }
0x117: {  	[tilespmem:s11], [sflag:$0x1] =	stream.indirect_vreg.gather [hbm4b:s2+s1], $0x80, v4, vm0, $0xb8;
	[tilespmem:$0x11100] =	vst v63  }
0x118: {  	s26 =	simm.s32 $0x900  }
0x119: {  	[tilespmem:s26], [sflag:$0x1] =	stream.indirect_vreg.gather [hbm4b:s2+s1], $0x80, v3, vm0, $0xb8;
	[tilespmem:$0x11100] =	vst v63  }
0x11a: {  	v3 =	vld [tilespmem:$0x90];
	_ =	sdelay $0x4  }
0x11b: {  	v4 =	vshll.u32 v3, $0x1  }
0x11c: {  	v3 =	vand.u32 $0x7, v3;
	v4 =	vand.u32 $0xFFFFFFF0, v4  }
0x11d: {  	v3 =	vor.u32 v3, v4  }
0x11e: {  	v4 =	vperm.xlane v3, v0;
	_ =	sdelay $0x1  }
0x11f: {  	v3 =	vperm.xlane v3, v2;
	v4 =	vadd.s32 v1, v4;
	_ =	sdelay $0x1  }
0x120: {  	v3 =	vadd.s32 v1, v3;
	_ =	sdelay $0x2  }
0x121: {  	[tilespmem:s12], [sflag:$0x1] =	stream.indirect_vreg.gather [hbm4b:s2+s1], $0x80, v4, vm0, $0xb8;
	[tilespmem:$0x11100] =	vst v63  }
0x122: {  	_ = 	snop  }
0x123: {  	[tilespmem:s13], [sflag:$0x1] =	stream.indirect_vreg.gather [hbm4b:s2+s1], $0x80, v3, vm0, $0xb8;
	[tilespmem:$0x11100] =	vst v63  }
0x124: {  	v3 =	vld [tilespmem:$0xA0];
	_ =	sdelay $0x4  }
0x125: {  	v4 =	vshll.u32 v3, $0x1  }
0x126: {  	v3 =	vand.u32 $0x7, v3;
	v4 =	vand.u32 $0xFFFFFFF0, v4  }
0x127: {  	v3 =	vor.u32 v3, v4  }
0x128: {  	v4 =	vperm.xlane v3, v0;
	_ =	sdelay $0x1  }
0x129: {  	v3 =	vperm.xlane v3, v2;
	v4 =	vadd.s32 v1, v4;
	_ =	sdelay $0x1  }
0x12a: {  	v3 =	vadd.s32 v1, v3;
	_ =	sdelay $0x2  }
0x12b: {  	[tilespmem:s14], [sflag:$0x1] =	stream.indirect_vreg.gather [hbm4b:s2+s1], $0x80, v4, vm0, $0xb8;
	[tilespmem:$0x11100] =	vst v63  }
0x12c: {  	_ = 	snop  }
0x12d: {  	[tilespmem:s15], [sflag:$0x1] =	stream.indirect_vreg.gather [hbm4b:s2+s1], $0x80, v3, vm0, $0xb8;
	[tilespmem:$0x11100] =	vst v63  }
0x12e: {  	v3 =	vld [tilespmem:$0xB0];
	_ =	sdelay $0x4  }
0x12f: {  	v4 =	vshll.u32 v3, $0x1  }
0x130: {  	v3 =	vand.u32 $0x7, v3;
	v4 =	vand.u32 $0xFFFFFFF0, v4  }
0x131: {  	v3 =	vor.u32 v3, v4  }
0x132: {  	v4 =	vperm.xlane v3, v0;
	_ =	sdelay $0x1  }
0x133: {  	v3 =	vperm.xlane v3, v2;
	v4 =	vadd.s32 v1, v4;
	_ =	sdelay $0x1  }
0x134: {  	v3 =	vadd.s32 v1, v3;
	_ =	sdelay $0x2  }
0x135: {  	[tilespmem:s16], [sflag:$0x1] =	stream.indirect_vreg.gather [hbm4b:s2+s1], $0x80, v4, vm0, $0xb8;
	[tilespmem:$0x11100] =	vst v63  }
0x136: {  	_ = 	snop  }
0x137: {  	[tilespmem:s17], [sflag:$0x1] =	stream.indirect_vreg.gather [hbm4b:s2+s1], $0x80, v3, vm0, $0xb8;
	[tilespmem:$0x11100] =	vst v63  }
0x138: {  	v3 =	vld [tilespmem:$0xC0];
	_ =	sdelay $0x4  }
0x139: {  	v4 =	vshll.u32 v3, $0x1  }
0x13a: {  	v3 =	vand.u32 $0x7, v3;
	v4 =	vand.u32 $0xFFFFFFF0, v4  }
0x13b: {  	v3 =	vor.u32 v3, v4  }
0x13c: {  	v4 =	vperm.xlane v3, v0;
	_ =	sdelay $0x1  }
0x13d: {  	v3 =	vperm.xlane v3, v2;
	v4 =	vadd.s32 v1, v4;
	_ =	sdelay $0x1  }
0x13e: {  	v3 =	vadd.s32 v1, v3;
	_ =	sdelay $0x2  }
0x13f: {  	[tilespmem:s18], [sflag:$0x1] =	stream.indirect_vreg.gather [hbm4b:s2+s1], $0x80, v4, vm0, $0xb8;
	[tilespmem:$0x11100] =	vst v63  }
0x140: {  	_ = 	snop  }
0x141: {  	[tilespmem:s19], [sflag:$0x1] =	stream.indirect_vreg.gather [hbm4b:s2+s1], $0x80, v3, vm0, $0xb8;
	[tilespmem:$0x11100] =	vst v63  }
0x142: {  	v3 =	vld [tilespmem:$0xD0];
	_ =	sdelay $0x4  }
0x143: {  	v4 =	vshll.u32 v3, $0x1  }
0x144: {  	v3 =	vand.u32 $0x7, v3;
	v4 =	vand.u32 $0xFFFFFFF0, v4  }
0x145: {  	v3 =	vor.u32 v3, v4  }
0x146: {  	v4 =	vperm.xlane v3, v0;
	_ =	sdelay $0x1  }
0x147: {  	v3 =	vperm.xlane v3, v2;
	v4 =	vadd.s32 v1, v4;
	_ =	sdelay $0x1  }
0x148: {  	v3 =	vadd.s32 v1, v3;
	_ =	sdelay $0x2  }
0x149: {  	[tilespmem:s20], [sflag:$0x1] =	stream.indirect_vreg.gather [hbm4b:s2+s1], $0x80, v4, vm0, $0xb8;
	[tilespmem:$0x11100] =	vst v63  }
0x14a: {  	_ = 	snop  }
0x14b: {  	[tilespmem:s21], [sflag:$0x1] =	stream.indirect_vreg.gather [hbm4b:s2+s1], $0x80, v3, vm0, $0xb8;
	[tilespmem:$0x11100] =	vst v63  }
0x14c: {  	v3 =	vld [tilespmem:$0xE0];
	_ =	sdelay $0x4  }
0x14d: {  	v4 =	vshll.u32 v3, $0x1  }
0x14e: {  	v3 =	vand.u32 $0x7, v3;
	v4 =	vand.u32 $0xFFFFFFF0, v4  }
0x14f: {  	v3 =	vor.u32 v3, v4  }
0x150: {  	v4 =	vperm.xlane v3, v0;
	_ =	sdelay $0x1  }
0x151: {  	v3 =	vperm.xlane v3, v2;
	v4 =	vadd.s32 v1, v4;
	_ =	sdelay $0x1  }
0x152: {  	v3 =	vadd.s32 v1, v3;
	_ =	sdelay $0x2  }
0x153: {  	[tilespmem:s22], [sflag:$0x1] =	stream.indirect_vreg.gather [hbm4b:s2+s1], $0x80, v4, vm0, $0xb8;
	[tilespmem:$0x11100] =	vst v63  }
0x154: {  	_ = 	snop  }
0x155: {  	[tilespmem:s23], [sflag:$0x1] =	stream.indirect_vreg.gather [hbm4b:s2+s1], $0x80, v3, vm0, $0xb8;
	[tilespmem:$0x11100] =	vst v63  }
0x156: {  	v3 =	vld [tilespmem:$0xF0];
	_ =	sdelay $0x4  }
0x157: {  	v4 =	vshll.u32 v3, $0x1  }
0x158: {  	v3 =	vand.u32 $0x7, v3;
	v4 =	vand.u32 $0xFFFFFFF0, v4  }
0x159: {  	v3 =	vor.u32 v3, v4  }
0x15a: {  	v4 =	vperm.xlane v3, v0;
	_ =	sdelay $0x1  }
0x15b: {  	v3 =	vperm.xlane v3, v2;
	v4 =	vadd.s32 v1, v4;
	_ =	sdelay $0x1  }
0x15c: {  	v3 =	vadd.s32 v1, v3;
	_ =	sdelay $0x2  }
0x15d: {  	[tilespmem:s24], [sflag:$0x1] =	stream.indirect_vreg.gather [hbm4b:s2+s1], $0x80, v4, vm0, $0xb8;
	[tilespmem:$0x11100] =	vst v63  }
0x15e: {  	_ = 	snop  }
0x15f: {  	[tilespmem:s25], [sflag:$0x1] =	stream.indirect_vreg.gather [hbm4b:s2+s1], $0x80, v3, vm0, $0xb8;
	[tilespmem:$0x11100] =	vst v63  }
0x160: {  	s30 =	simm.s32 $0x0;
	_ =	swait.ge [sflag:s28], $0x8000  }
0x161: {  	s10 =	sand.u32 $0x7800, s1;
	s0 =	sand.u32 $0x300, s30;
	[sflag:s28] =	ssyncset.done $0x0  }
0x162: {  	s0 =	sor.u32 s0, s10;
	[sflag:s28] =	ssyncadd.s32 $0xFFFF8000  }
0x163: {  	v3 =	vld [tilespmem:s0+$0x110]  }
0x164: {  	v4 =	vld [tilespmem:s0+$0x100]  }
0x165: {  	v5 =	vld [tilespmem:s0+$0x8100]  }
0x166: {  	v6 =	vld [tilespmem:s0+$0x8110]  }
0x167: {  	v7 =	vld [tilespmem:s0+$0x120]  }
0x168: {  	v8 =	vld [tilespmem:s0+$0x8120]  }
0x169: {  	v9 =	vld [tilespmem:s0+$0x130]  }
0x16a: {  	v10 =	vld [tilespmem:s0+$0x8130]  }
0x16b: {  	v4 =	vmul.f32 v4, v5;
	v3 =	vmul.f32 v3, v6;
	v5 =	vld [tilespmem:s0+$0x140]  }
0x16c: {  	v6 =	vld [tilespmem:s0+$0x8140]  }
0x16d: {  	v3 =	vadd.f32 v3, v4;
	v4 =	vmul.f32 v7, v8;
	v7 =	vld [tilespmem:s0+$0x150]  }
0x16e: {  	v8 =	vld [tilespmem:s0+$0x8150]  }
0x16f: {  	v3 =	vadd.f32 v4, v3;
	v4 =	vmul.f32 v9, v10;
	v9 =	vld [tilespmem:s0+$0x160]  }
0x170: {  	v10 =	vld [tilespmem:s0+$0x8160]  }
0x171: {  	v3 =	vadd.f32 v4, v3;
	v4 =	vmul.f32 v5, v6;
	v5 =	vld [tilespmem:s0+$0x170]  }
0x172: {  	v6 =	vld [tilespmem:s0+$0x8170]  }
0x173: {  	v3 =	vadd.f32 v4, v3;
	v4 =	vmul.f32 v7, v8;
	v7 =	vld [tilespmem:s0+$0x500]  }
0x174: {  	v8 =	vld [tilespmem:s0+$0x8500]  }
0x175: {  	v3 =	vadd.f32 v4, v3;
	v4 =	vmul.f32 v9, v10;
	v9 =	vld [tilespmem:s0+$0x510]  }
0x176: {  	v10 =	vld [tilespmem:s0+$0x8510]  }
0x177: {  	v3 =	vadd.f32 v4, v3;
	v4 =	vmul.f32 v5, v6;
	v5 =	vld [tilespmem:s0+$0x520]  }
0x178: {  	v6 =	vld [tilespmem:s0+$0x8520]  }
0x179: {  	v3 =	vadd.f32 v4, v3;
	v4 =	vmul.f32 v7, v8;
	v7 =	vld [tilespmem:s0+$0x530]  }
0x17a: {  	v8 =	vld [tilespmem:s0+$0x8530]  }
0x17b: {  	v3 =	vadd.f32 v4, v3;
	v4 =	vmul.f32 v9, v10;
	v9 =	vld [tilespmem:s0+$0x540]  }
0x17c: {  	v10 =	vld [tilespmem:s0+$0x8540]  }
0x17d: {  	v3 =	vadd.f32 v4, v3;
	v4 =	vmul.f32 v5, v6;
	v5 =	vld [tilespmem:s0+$0x550]  }
0x17e: {  	v6 =	vld [tilespmem:s0+$0x8550]  }
0x17f: {  	v3 =	vadd.f32 v4, v3;
	v4 =	vmul.f32 v7, v8;
	v7 =	vld [tilespmem:s0+$0x560]  }
0x180: {  	v8 =	vld [tilespmem:s0+$0x8560]  }
0x181: {  	v3 =	vadd.f32 v4, v3;
	v4 =	vmul.f32 v9, v10;
	v9 =	vld [tilespmem:s0+$0x570]  }
0x182: {  	v10 =	vld [tilespmem:s0+$0x8570]  }
0x183: {  	v3 =	vadd.f32 v4, v3;
	v4 =	vmul.f32 v5, v6;
	_ =	sdelay $0x1  }
0x184: {  	v3 =	vadd.f32 v4, v3;
	v4 =	vmul.f32 v7, v8;
	_ =	sdelay $0x1  }
0x185: {  	v3 =	vadd.f32 v4, v3;
	v4 =	vmul.f32 v9, v10;
	_ =	sdelay $0x1  }
0x186: {  	s11 =	simm.s32 $0x80;
	v3 =	vadd.f32 v4, v3  }
0x187: {  	s11 =	sand.u32 $0x380, s11;
	s0 =	simm.s32 $0x10910  }
0x188: {  	s10 =	sor.u32 s10, s11;
	[tilespmem:s0+$0xFFFFFFF0] =	vst v3  }
0x189: {  	v3 =	vld [tilespmem:s10+$0x8100]  }
0x18a: {  	v4 =	vld [tilespmem:s10+$0x110]  }
0x18b: {  	v5 =	vld [tilespmem:s10+$0x8110]  }
0x18c: {  	v6 =	vld [tilespmem:s10+$0x100]  }
0x18d: {  	v7 =	vld [tilespmem:s10+$0x120]  }
0x18e: {  	v8 =	vld [tilespmem:s10+$0x8120]  }
0x18f: {  	v9 =	vld [tilespmem:s10+$0x130]  }
0x190: {  	v10 =	vld [tilespmem:s10+$0x8130]  }
0x191: {  	v4 =	vmul.f32 v4, v5;
	v3 =	vmul.f32 v6, v3;
	v5 =	vld [tilespmem:s10+$0x140]  }
0x192: {  	v6 =	vld [tilespmem:s10+$0x8140]  }
0x193: {  	v3 =	vadd.f32 v4, v3;
	v4 =	vmul.f32 v7, v8;
	v7 =	vld [tilespmem:s10+$0x150]  }
0x194: {  	v8 =	vld [tilespmem:s10+$0x8150]  }
0x195: {  	v3 =	vadd.f32 v4, v3;
	v4 =	vmul.f32 v9, v10;
	v9 =	vld [tilespmem:s10+$0x160]  }
0x196: {  	v10 =	vld [tilespmem:s10+$0x8160]  }
0x197: {  	v3 =	vadd.f32 v4, v3;
	v4 =	vmul.f32 v5, v6;
	v5 =	vld [tilespmem:s10+$0x170]  }
0x198: {  	v6 =	vld [tilespmem:s10+$0x8170]  }
0x199: {  	v3 =	vadd.f32 v4, v3;
	v4 =	vmul.f32 v7, v8;
	v7 =	vld [tilespmem:s10+$0x500]  }
0x19a: {  	v8 =	vld [tilespmem:s10+$0x8500]  }
0x19b: {  	v3 =	vadd.f32 v4, v3;
	v4 =	vmul.f32 v9, v10;
	v9 =	vld [tilespmem:s10+$0x510]  }
0x19c: {  	v10 =	vld [tilespmem:s10+$0x8510]  }
0x19d: {  	v3 =	vadd.f32 v4, v3;
	v4 =	vmul.f32 v5, v6;
	v5 =	vld [tilespmem:s10+$0x520]  }
0x19e: {  	v6 =	vld [tilespmem:s10+$0x8520]  }
0x19f: {  	v3 =	vadd.f32 v4, v3;
	v4 =	vmul.f32 v7, v8;
	v7 =	vld [tilespmem:s10+$0x530]  }
0x1a0: {  	v8 =	vld [tilespmem:s10+$0x8530]  }
0x1a1: {  	v3 =	vadd.f32 v4, v3;
	v4 =	vmul.f32 v9, v10;
	v9 =	vld [tilespmem:s10+$0x540]  }
0x1a2: {  	v10 =	vld [tilespmem:s10+$0x8540]  }
0x1a3: {  	v11 =	vld [tilespmem:s10+$0x550];
	v3 =	vadd.f32 v4, v3;
	v4 =	vmul.f32 v5, v6  }
0x1a4: {  	v12 =	vld [tilespmem:s10+$0x8550]  }
0x1a5: {  	v5 =	vld [tilespmem:s10+$0x8560];
	v6 =	vmul.f32 v7, v8;
	v4 =	vadd.f32 v4, v3  }
0x1a6: {  	v3 =	vld [tilespmem:s10+$0x560]  }
0x1a7: {  	v8 =	vmul.f32 v9, v10;
	v7 =	vadd.f32 v6, v4;
	v4 =	vld [tilespmem:s10+$0x570]  }
0x1a8: {  	v6 =	vld [tilespmem:s10+$0x8570]  }
0x1a9: {  	s29 =	simm.s32 $0x180;
	s26 =	simm.s32 $0x10910;
	v7 =	vadd.f32 v8, v7;
	v8 =	vmul.f32 v11, v12  }
.LBB2_4:
0x1aa: {  	p0 =	sne.s32 s29, $0x3F80;
	s0 =	sadd.s32 $0x20, s0;
	s1 =	sadd.s32 $0x200, s1  }
0x1ab: {  	s30 =	smov.u32 s29;
	s29 =	sadd.s32 $0x100, s29;
	v7 =	vadd.f32 v8, v7;
	v3 =	vmul.f32 v3, v5;
	_ =	sdelay $0x1  }
0x1ac: {  	v3 =	vadd.f32 v3, v7;
	v4 =	vmul.f32 v4, v6  }
0x1ad: {  	s11 =	sadd.s32 $0xFFFFFF80, s30  }
0x1ae: {  	s10 =	sand.u32 $0x7800, s1;
	s11 =	sand.u32 $0x300, s11;
	v3 =	vadd.f32 v4, v3  }
0x1af: {  	s11 =	sor.u32 s11, s10  }
0x1b0: {  	[tilespmem:s26+$0x0] =	vst v3;
	s26 =	smov.u32 s0  }
0x1b1: {  	v3 =	vld [tilespmem:s11+$0x110]  }
0x1b2: {  	v4 =	vld [tilespmem:s11+$0x100]  }
0x1b3: {  	v5 =	vld [tilespmem:s11+$0x8100]  }
0x1b4: {  	v6 =	vld [tilespmem:s11+$0x8110]  }
0x1b5: {  	v7 =	vld [tilespmem:s11+$0x120]  }
0x1b6: {  	v8 =	vld [tilespmem:s11+$0x8120]  }
0x1b7: {  	v9 =	vld [tilespmem:s11+$0x130]  }
0x1b8: {  	v10 =	vld [tilespmem:s11+$0x8130]  }
0x1b9: {  	v4 =	vmul.f32 v4, v5;
	v3 =	vmul.f32 v3, v6;
	v5 =	vld [tilespmem:s11+$0x140]  }
0x1ba: {  	v6 =	vld [tilespmem:s11+$0x8140]  }
0x1bb: {  	v3 =	vadd.f32 v3, v4;
	v4 =	vmul.f32 v7, v8;
	v7 =	vld [tilespmem:s11+$0x150]  }
0x1bc: {  	v8 =	vld [tilespmem:s11+$0x8150]  }
0x1bd: {  	v3 =	vadd.f32 v4, v3;
	v4 =	vmul.f32 v9, v10;
	v9 =	vld [tilespmem:s11+$0x160]  }
0x1be: {  	v10 =	vld [tilespmem:s11+$0x8160]  }
0x1bf: {  	v3 =	vadd.f32 v4, v3;
	v4 =	vmul.f32 v5, v6;
	v5 =	vld [tilespmem:s11+$0x170]  }
0x1c0: {  	v6 =	vld [tilespmem:s11+$0x8170]  }
0x1c1: {  	v3 =	vadd.f32 v4, v3;
	v4 =	vmul.f32 v7, v8;
	v7 =	vld [tilespmem:s11+$0x500]  }
0x1c2: {  	v8 =	vld [tilespmem:s11+$0x8500]  }
0x1c3: {  	v3 =	vadd.f32 v4, v3;
	v4 =	vmul.f32 v9, v10;
	v9 =	vld [tilespmem:s11+$0x510]  }
0x1c4: {  	v10 =	vld [tilespmem:s11+$0x8510]  }
0x1c5: {  	v3 =	vadd.f32 v4, v3;
	v4 =	vmul.f32 v5, v6;
	v5 =	vld [tilespmem:s11+$0x520]  }
0x1c6: {  	v6 =	vld [tilespmem:s11+$0x8520]  }
0x1c7: {  	v3 =	vadd.f32 v4, v3;
	v4 =	vmul.f32 v7, v8;
	v7 =	vld [tilespmem:s11+$0x530]  }
0x1c8: {  	v8 =	vld [tilespmem:s11+$0x8530]  }
0x1c9: {  	v3 =	vadd.f32 v4, v3;
	v4 =	vmul.f32 v9, v10;
	v9 =	vld [tilespmem:s11+$0x540]  }
0x1ca: {  	v10 =	vld [tilespmem:s11+$0x8540]  }
0x1cb: {  	v3 =	vadd.f32 v4, v3;
	v4 =	vmul.f32 v5, v6;
	v5 =	vld [tilespmem:s11+$0x550]  }
0x1cc: {  	v6 =	vld [tilespmem:s11+$0x8550]  }
0x1cd: {  	v3 =	vadd.f32 v4, v3;
	v4 =	vmul.f32 v7, v8;
	v7 =	vld [tilespmem:s11+$0x560]  }
0x1ce: {  	v8 =	vld [tilespmem:s11+$0x8560]  }
0x1cf: {  	v3 =	vadd.f32 v4, v3;
	v4 =	vmul.f32 v9, v10;
	v9 =	vld [tilespmem:s11+$0x570]  }
0x1d0: {  	v10 =	vld [tilespmem:s11+$0x8570]  }
0x1d1: {  	v3 =	vadd.f32 v4, v3;
	v4 =	vmul.f32 v5, v6;
	_ =	sdelay $0x1  }
0x1d2: {  	v3 =	vadd.f32 v4, v3;
	v4 =	vmul.f32 v7, v8;
	_ =	sdelay $0x1  }
0x1d3: {  	v3 =	vadd.f32 v4, v3;
	v4 =	vmul.f32 v9, v10;
	_ =	sdelay $0x1  }
0x1d4: {  	v3 =	vadd.f32 v4, v3  }
0x1d5: {  	s11 =	sand.u32 $0x380, s30  }
0x1d6: {  	s10 =	sor.u32 s10, s11;
	[tilespmem:s0+$0xFFFFFFF0] =	vst v3  }
0x1d7: {  	v3 =	vld [tilespmem:s10+$0x8100]  }
0x1d8: {  	v4 =	vld [tilespmem:s10+$0x110]  }
0x1d9: {  	v5 =	vld [tilespmem:s10+$0x8110]  }
0x1da: {  	v6 =	vld [tilespmem:s10+$0x100]  }
0x1db: {  	v7 =	vld [tilespmem:s10+$0x120]  }
0x1dc: {  	v8 =	vld [tilespmem:s10+$0x8120]  }
0x1dd: {  	v9 =	vld [tilespmem:s10+$0x130]  }
0x1de: {  	v4 =	vmul.f32 v4, v5;
	v5 =	vld [tilespmem:s10+$0x8130]  }
0x1df: {  	v3 =	vmul.f32 v6, v3;
	v6 =	vld [tilespmem:s10+$0x140]  }
0x1e0: {  	v10 =	vld [tilespmem:s10+$0x8140]  }
0x1e1: {  	v3 =	vadd.f32 v4, v3;
	v4 =	vmul.f32 v7, v8;
	v7 =	vld [tilespmem:s10+$0x150]  }
0x1e2: {  	v8 =	vld [tilespmem:s10+$0x8150]  }
0x1e3: {  	v3 =	vadd.f32 v4, v3;
	v4 =	vmul.f32 v9, v5;
	v5 =	vld [tilespmem:s10+$0x160]  }
0x1e4: {  	v9 =	vld [tilespmem:s10+$0x8160]  }
0x1e5: {  	v3 =	vadd.f32 v4, v3;
	v4 =	vmul.f32 v6, v10;
	v6 =	vld [tilespmem:s10+$0x170]  }
0x1e6: {  	v10 =	vld [tilespmem:s10+$0x8170]  }
0x1e7: {  	v3 =	vadd.f32 v4, v3;
	v4 =	vmul.f32 v7, v8;
	v7 =	vld [tilespmem:s10+$0x500]  }
0x1e8: {  	v8 =	vld [tilespmem:s10+$0x8500]  }
0x1e9: {  	v3 =	vadd.f32 v4, v3;
	v4 =	vmul.f32 v5, v9;
	v5 =	vld [tilespmem:s10+$0x510]  }
0x1ea: {  	v9 =	vld [tilespmem:s10+$0x8510]  }
0x1eb: {  	v3 =	vadd.f32 v4, v3;
	v4 =	vmul.f32 v6, v10;
	v6 =	vld [tilespmem:s10+$0x520]  }
0x1ec: {  	v10 =	vld [tilespmem:s10+$0x8520]  }
0x1ed: {  	v3 =	vadd.f32 v4, v3;
	v4 =	vmul.f32 v7, v8;
	v7 =	vld [tilespmem:s10+$0x530]  }
0x1ee: {  	v8 =	vld [tilespmem:s10+$0x8530]  }
0x1ef: {  	v3 =	vadd.f32 v4, v3;
	v4 =	vmul.f32 v5, v9;
	v9 =	vld [tilespmem:s10+$0x540]  }
0x1f0: {  	v11 =	vld [tilespmem:s10+$0x8540]  }
0x1f1: {  	v3 =	vadd.f32 v4, v3;
	v4 =	vmul.f32 v6, v10;
	v10 =	vld [tilespmem:s10+$0x550]  }
0x1f2: {  	v12 =	vld [tilespmem:s10+$0x8550]  }
.Ltmp1:
0x1f3: {  	v4 =	vadd.f32 v4, v3;
	v6 =	vmul.f32 v7, v8;
	v3 =	vld [tilespmem:s10+$0x560];
	(pc) =	sbr.rel @p0 .LBB2_4-.Ltmp1, $4  }
0x1f4: {  	v5 =	vld [tilespmem:s10+$0x8560]  }
0x1f5: {  	v7 =	vadd.f32 v6, v4;
	v8 =	vmul.f32 v9, v11;
	v4 =	vld [tilespmem:s10+$0x570]  }
0x1f6: {  	v6 =	vld [tilespmem:s10+$0x8570]  }
0x1f7: {  	v7 =	vadd.f32 v8, v7;
	v8 =	vmul.f32 v10, v12  }
0x1f8: {  	_ = 	snop  }
0x1f9: {  	v7 =	vadd.f32 v8, v7;
	v3 =	vmul.f32 v3, v5;
	_ =	sdelay $0x1  }
0x1fa: {  	v3 =	vadd.f32 v3, v7;
	v4 =	vmul.f32 v4, v6;
	_ =	sdelay $0x1  }
0x1fb: {  	v3 =	vadd.f32 v4, v3;
	_ =	sdelay $0x1  }
0x1fc: {  	s0 =	simm.s32 $0x10100;
	[tilespmem:s26+$0x0] =	vst v3  }
0x1fd: {  	[hbm4b:s6+s3] =	stream.linear.scatter [tilespmem:s0], [sflag:$0x2], $0x800, $0x38;
	[tilespmem:$0x11100] =	vst v63  }
0x1fe: {  	s31 =	sadd.s32 $0x1, s31;
	_ =	swait.ge [sflag:s9], $0x800  }
0x1ff: {  	p0 =	sne.s32 s31, s8;
	[sflag:s9] =	ssyncset.done $0x0  }
.Ltmp2:
0x200: {  	s30 =	simm.s32 $0x10900;
	[sflag:s9] =	ssyncadd.s32 $0xFFFFF800;
	(pc) =	sbr.rel @p0 .LBB2_1-.Ltmp2, $4  }
0x201: {  	[hbm4b:s7+s3] =	stream.linear.scatter [tilespmem:s30], [sflag:$0x2], $0x800, $0x38;
	[tilespmem:$0x11100] =	vst v63  }
0x202: {  	_ =	swait.ge [sflag:s9], $0x800  }
0x203: {  	[sflag:s9] =	ssyncset.done $0x0  }
0x204: {  	[sflag:s9] =	ssyncadd.s32 $0xFFFFF800  }
0x205: {  	_ =	sfence.sel $0x180000  }
0x206: {  	[bflag:$0x0] =	sbarrier.arrive $0xFFFF  }
0x207: {  	_ =	strace $0x90000047  }
0x208: {  	s0 =	stileid.u32;
	[bflag:$0x2] =	sbarrier.arrive $0xFFFF  }
0x209: {  	p0 =	sne.s32 s0, $0x0;
	s0 =	rddreg [dreg:$0x4]  }
0x20a: {  	s0 =	sadd.s32 @!p0 $0x100000, s0  }
0x20b: {  	[sflag:s0] =	ssyncadd.tile.s32 @!p0 $0x1;
	_ =	shalt  }
.Lfunc_end2:
_tile_overlayer_lowered:
.L_overlay_start_2:
0x20c: {  	(tag) =	ssettag $0x2  }
0x20d: {  	s0 =	rddreg [dreg:$0x0];
	s2 =	stileid.u32  }
0x20e: {  	s1 =	rddreg [dreg:$0x1];
	p0 =	sne.s32 s2, $0x0  }
0x20f: {  	s3 =	rddreg [dreg:$0x2];
	[bflag:$0x3] =	sbarrier.arrive $0xFFFF;
	s2 =	simm.s32 @!p0 $0x1C02  }
0x210: {  	[timem:s3], [sflag:s2] =	dma.local @!p0 [hbm:s0], s1  }
0x211: {  	s0 =	simm.s32 @!p0 $0x2  }
0x212: {  	_ =	swait.ge @!p0 [sflag:s0], s1  }
0x213: {  	s1 =	ssub.s32 @!p0 $0x0, s1;
	[sflag:s0] =	ssyncset.done @!p0 $0x0  }
0x214: {  	[sflag:s0] =	ssyncadd.s32 @!p0 s1  }
0x215: {  	[bflag:$0x3] =	sbarrier.arrive $0xFFFF  }
0x216: {  	_ =	shalt  }

</sc_bundles>
